<compile_context>
chip_gen: v7x
topology: tpu7x:2x2x1
jax: 0.10.2.dev20260603
libtpu: 0.0.44.dev20260713+nightly
codegen_flags: <defaults>
</compile_context>

<pallas_src>
import jax
import jax.numpy as jnp
from jax import lax
from jax.experimental import pallas as pl
from jax.experimental.pallas import tpu as pltpu
from jax.experimental.pallas import tpu_sc as plsc

NC = 2
NS = 16
NW = NC * NS
L = 16
G = 128
SHW = 16
WBLK = 1 << SHW
QB = WBLK // 4
SHQ = SHW - 2
CHUNK = 256


def _regroup_body(in_ref, out_ref):
    x = in_ref[...]
    xt = jnp.concatenate(
        [x[:, p * QB:(p + 1) * QB] for p in range(4)], axis=0)
    out_ref[...] = xt.T


def _regroup(tab_t):
    v = tab_t.shape[1]
    grid = (v + WBLK - 1) // WBLK
    return pl.pallas_call(
        _regroup_body,
        grid=(grid,),
        in_specs=[pl.BlockSpec((32, WBLK), lambda i: (0, i))],
        out_specs=pl.BlockSpec((QB, G), lambda i: (i, 0)),
        out_shape=jax.ShapeDtypeStruct((grid * QB, G), jnp.float32),
        compiler_params=pltpu.CompilerParams(
            dimension_semantics=("parallel",)),
    )(tab_t)


def _lane_consts():
    lane = lax.iota(jnp.int32, L)
    conds = {k: (lane & k) == 0 for k in (8, 4, 2, 1)}
    perms = {k: lane ^ k for k in (8, 4, 2, 1)}
    bitrev = ((lane & 1) << 3) | ((lane & 2) << 1) | ((lane & 4) >> 1) | (
        (lane & 8) >> 3)
    return conds, perms, bitrev


def _hsum16(vecs, conds, perms, bitrev):
    for k in (8, 4, 2, 1):
        cond, perm = conds[k], perms[k]
        nxt = []
        for i in range(0, len(vecs), 2):
            x, y = vecs[i], vecs[i + 1]
            a = jnp.where(cond, x, y)
            c = jnp.where(cond, y, x)
            nxt.append(a + jnp.take_along_axis(c, perm, axis=0))
        vecs = nxt
    return jnp.take_along_axis(vecs[0], bitrev, axis=0)


def _gmf_kernel(uidx_hbm, iidx_hbm, utab_hbm, itab_hbm, w_hbm, b_hbm,
                out_hbm, uidx_v, iidx_v, uq_v, iq_v, urows_v, irows_v,
                res_v, w_v, b_v, sem):
    bpw = res_v.shape[0]
    wid = lax.axis_index("s") * NC + lax.axis_index("c")
    base = wid * bpw

    pltpu.sync_copy(w_hbm, w_v)
    pltpu.sync_copy(b_hbm, b_v)
    pltpu.sync_copy(uidx_hbm.at[pl.ds(base, bpw)], uidx_v)
    pltpu.sync_copy(iidx_hbm.at[pl.ds(base, bpw)], iidx_v)

    def shift(r, carry):
        s = pl.ds(r * L, L)
        u = uidx_v[s]
        i = iidx_v[s]
        uq_v[s] = ((u >> SHW) << SHQ) | (u & (QB - 1))
        iq_v[s] = ((i >> SHW) << SHQ) | (i & (QB - 1))
        return carry

    lax.fori_loop(0, bpw // L, shift, 0)

    w_lo = w_v[pl.ds(0, L)]
    w_hi = w_v[pl.ds(L, L)]
    bvec = b_v[...]
    conds, perms, bitrev = _lane_consts()

    def chunk(c, carry):
        coff = c * CHUNK
        cu = pltpu.async_copy(utab_hbm.at[uq_v.at[pl.ds(coff, CHUNK)]],
                              urows_v, sem)
        ci = pltpu.async_copy(itab_hbm.at[iq_v.at[pl.ds(coff, CHUNK)]],
                              irows_v, sem)
        cu.wait()
        ci.wait()

        def group(r, carry2):
            off = r * L
            uoffs = ((uidx_v[pl.ds(coff + off, L)] >> SHQ) & 3) << 5
            ioffs = ((iidx_v[pl.ds(coff + off, L)] >> SHQ) & 3) << 5
            ps = []
            for j in range(L):
                row = off + j
                uc = uoffs[j]
                ic = ioffs[j]
                u_lo = urows_v[row, pl.ds(uc, L)]
                u_hi = urows_v[row, pl.ds(uc + L, L)]
                i_lo = irows_v[row, pl.ds(ic, L)]
                i_hi = irows_v[row, pl.ds(ic + L, L)]
                ps.append(u_lo * i_lo * w_lo + u_hi * i_hi * w_hi)
            z = _hsum16(ps, conds, perms, bitrev) + bvec
            res_v[pl.ds(coff + off, L)] = 1.0 / (1.0 + jnp.exp(-z))
            return carry2

        lax.fori_loop(0, CHUNK // L, group, 0)
        return carry

    lax.fori_loop(0, bpw // CHUNK, chunk, 0)
    pltpu.sync_copy(res_v, out_hbm.at[pl.ds(base, bpw)])


def kernel(user_input, item_input, user_table, item_table, W, b):
    B = user_input.shape[0]
    V, D = user_table.shape
    assert D == 2 * L and B % (NW * CHUNK) == 0
    bpw = B // NW

    uidx = user_input.astype(jnp.int32)
    iidx = item_input.astype(jnp.int32)
    utab4 = _regroup(user_table.T)
    itab4 = _regroup(item_table.T)
    w_flat = W.reshape(D).astype(jnp.float32)
    bvec = jnp.broadcast_to(b.astype(jnp.float32).reshape(1), (L,))

    mesh = plsc.VectorSubcoreMesh(core_axis_name="c", subcore_axis_name="s")
    run = pl.kernel(
        _gmf_kernel,
        out_type=jax.ShapeDtypeStruct((B,), jnp.float32),
        mesh=mesh,
        scratch_types=[
            pltpu.VMEM((bpw,), jnp.int32),
            pltpu.VMEM((bpw,), jnp.int32),
            pltpu.VMEM((bpw,), jnp.int32),
            pltpu.VMEM((bpw,), jnp.int32),
            pltpu.VMEM((CHUNK, G), jnp.float32),
            pltpu.VMEM((CHUNK, G), jnp.float32),
            pltpu.VMEM((bpw,), jnp.float32),
            pltpu.VMEM((D,), jnp.float32),
            pltpu.VMEM((L,), jnp.float32),
            pltpu.SemaphoreType.DMA,
        ],
    )
    out = run(uidx, iidx, utab4, itab4, w_flat, bvec)
    return out.reshape(B, 1)

# --- scband reference (transcript-rebuilt; emitter-appended) ---
"""Pipeline reference for scband-gmf-24756191494736 (READ-ONLY COPY).

The authoritative reference and input builder live on the scoring server;
editing this copy changes nothing except your own understanding.
"""

import jax, jax.numpy as jnp
import numpy as np

NUM_USERS = 1000000
NUM_ITEMS = 1000000
EMBED_DIM = 32
BATCH = 16384


def setup_inputs(seed: int = 0) -> dict:
    key = jax.random.key(seed)
    k1, k2, k3, k4, k5, k6 = jax.random.split(key, 6)
    user_input = jax.random.randint(k1, (BATCH,), 0, NUM_USERS, dtype=jnp.int64) if jax.config.jax_enable_x64 else jax.random.randint(k1, (BATCH,), 0, NUM_USERS, dtype=jnp.int32)
    item_input = jax.random.randint(k2, (BATCH,), 0, NUM_ITEMS, dtype=jnp.int32)
    user_table = jax.random.normal(k3, (NUM_USERS, EMBED_DIM), dtype=jnp.float32) * 0.05
    item_table = jax.random.normal(k4, (NUM_ITEMS, EMBED_DIM), dtype=jnp.float32) * 0.05
    W = jax.random.normal(k5, (EMBED_DIM, 1), dtype=jnp.float32) * (1.0 / np.sqrt(EMBED_DIM))
    b = jnp.zeros((1,), dtype=jnp.float32)
    return {"user_input": user_input, "item_input": item_input, "user_table": user_table, "item_table": item_table, "W": W, "b": b}


def reference(user_input, item_input, user_table, item_table, W, b):
    # GMF forward: elementwise product of user/item embeddings -> linear -> sigmoid
    user_embedding = jnp.take(user_table, user_input, axis=0)  # [B, D]
    item_embedding = jnp.take(item_table, item_input, axis=0)  # [B, D]
    x = user_embedding * item_embedding                        # [B, D]
    logit = x @ W + b                                          # [B, 1]
    output = jax.nn.sigmoid(logit)
    return output

if __name__ == "__main__":
    import jax
    _d = setup_inputs()
    print(jax.jit(kernel)(*tuple(_d.values())))

</pallas_src>

<mosaic_0001>
#map = affine_map<(d0, d1) -> (0)>
#map1 = affine_map<(d0, d1) -> (0, 0)>
module attributes {stable_mosaic.version = 14 : i64} {
  func.func @_gmf_kernel(%arg0: i32, %arg1: i32, %arg2: memref<16384xi32, #tpu.memory_space<hbm>>, %arg3: memref<16384xi32, #tpu.memory_space<hbm>>, %arg4: memref<262144x128xf32, #tpu.memory_space<hbm>>, %arg5: memref<262144x128xf32, #tpu.memory_space<hbm>>, %arg6: memref<32xf32, #tpu.memory_space<hbm>>, %arg7: memref<16xf32, #tpu.memory_space<hbm>>, %arg8: memref<16384xf32, #tpu.memory_space<hbm>>, %arg9: memref<512xi32, #tpu.memory_space<vmem>>, %arg10: memref<512xi32, #tpu.memory_space<vmem>>, %arg11: memref<512xi32, #tpu.memory_space<vmem>>, %arg12: memref<512xi32, #tpu.memory_space<vmem>>, %arg13: memref<256x128xf32, #tpu.memory_space<vmem>>, %arg14: memref<256x128xf32, #tpu.memory_space<vmem>>, %arg15: memref<512xf32, #tpu.memory_space<vmem>>, %arg16: memref<32xf32, #tpu.memory_space<vmem>>, %arg17: memref<16xf32, #tpu.memory_space<vmem>>, %arg18: memref<!tpu.dma_semaphore, #tpu.memory_space<semaphore_mem>>) attributes {dimension_semantics = [#tpu.dimension_semantics<core_parallel>, #tpu.dimension_semantics<subcore_parallel>], iteration_bounds = array<i64: 2, 16>, scalar_prefetch = 0 : i64, scratch_operands = 10 : i64, tpu.core_type = #tpu.core_type<sc_vector_subcore>, window_params = [{transform_indices = #map}, {transform_indices = #map}, {transform_indices = #map1}, {transform_indices = #map1}, {transform_indices = #map}, {transform_indices = #map}, {transform_indices = #map}]} {
    %mul3A = arith.constant 2 : i32
    %mul3A_0 = arith.muli %arg1, %mul3A : i32
    %add3A = arith.addi %mul3A_0, %arg0 : i32
    %mul3A_1 = arith.constant 512 : i32
    %mul3A_2 = arith.muli %add3A, %mul3A_1 : i32
    "tpu.region"() ({
      %run_scoped3A = tpu.sem_alloc : memref<!tpu.dma_semaphore, #tpu.memory_space<semaphore_mem>>
      tpu.enqueue_dma source(%arg6 : memref<32xf32, #tpu.memory_space<hbm>>) target(%arg16 : memref<32xf32, #tpu.memory_space<vmem>>) target_semaphore(%run_scoped3A : memref<!tpu.dma_semaphore, #tpu.memory_space<semaphore_mem>>)
      tpu.wait_dma2 semaphore(%run_scoped3A : memref<!tpu.dma_semaphore, #tpu.memory_space<semaphore_mem>>) src(%arg6 : memref<32xf32, #tpu.memory_space<hbm>>) dst(%arg16 : memref<32xf32, #tpu.memory_space<vmem>>)
      tpu.yield
    }) : () -> ()
    "tpu.region"() ({
      %run_scoped3A = tpu.sem_alloc : memref<!tpu.dma_semaphore, #tpu.memory_space<semaphore_mem>>
      tpu.enqueue_dma source(%arg7 : memref<16xf32, #tpu.memory_space<hbm>>) target(%arg17 : memref<16xf32, #tpu.memory_space<vmem>>) target_semaphore(%run_scoped3A : memref<!tpu.dma_semaphore, #tpu.memory_space<semaphore_mem>>)
      tpu.wait_dma2 semaphore(%run_scoped3A : memref<!tpu.dma_semaphore, #tpu.memory_space<semaphore_mem>>) src(%arg7 : memref<16xf32, #tpu.memory_space<hbm>>) dst(%arg17 : memref<16xf32, #tpu.memory_space<vmem>>)
      tpu.yield
    }) : () -> ()
    "tpu.region"() ({
      %run_scoped3A = tpu.sem_alloc : memref<!tpu.dma_semaphore, #tpu.memory_space<semaphore_mem>>
      %dma_start3A = tpu.memref_slice %arg2[%mul3A_2] : memref<16384xi32, #tpu.memory_space<hbm>> -> memref<512xi32, #tpu.memory_space<hbm>>
      %dma_start3A_79 = tpu.memref_slice %arg2[%mul3A_2] : memref<16384xi32, #tpu.memory_space<hbm>> -> memref<512xi32, #tpu.memory_space<hbm>>
      tpu.enqueue_dma source(%dma_start3A_79 : memref<512xi32, #tpu.memory_space<hbm>>) target(%arg9 : memref<512xi32, #tpu.memory_space<vmem>>) target_semaphore(%run_scoped3A : memref<!tpu.dma_semaphore, #tpu.memory_space<semaphore_mem>>)
      %dma_wait3A = tpu.memref_slice %arg2[%mul3A_2] : memref<16384xi32, #tpu.memory_space<hbm>> -> memref<512xi32, #tpu.memory_space<hbm>>
      %dma_wait3A_80 = tpu.memref_slice %arg2[%mul3A_2] : memref<16384xi32, #tpu.memory_space<hbm>> -> memref<512xi32, #tpu.memory_space<hbm>>
      tpu.wait_dma2 semaphore(%run_scoped3A : memref<!tpu.dma_semaphore, #tpu.memory_space<semaphore_mem>>) src(%dma_wait3A_80 : memref<512xi32, #tpu.memory_space<hbm>>) dst(%arg9 : memref<512xi32, #tpu.memory_space<vmem>>)
      tpu.yield
    }) : () -> ()
    "tpu.region"() ({
      %run_scoped3A = tpu.sem_alloc : memref<!tpu.dma_semaphore, #tpu.memory_space<semaphore_mem>>
      %dma_start3A = tpu.memref_slice %arg3[%mul3A_2] : memref<16384xi32, #tpu.memory_space<hbm>> -> memref<512xi32, #tpu.memory_space<hbm>>
      %dma_start3A_79 = tpu.memref_slice %arg3[%mul3A_2] : memref<16384xi32, #tpu.memory_space<hbm>> -> memref<512xi32, #tpu.memory_space<hbm>>
      tpu.enqueue_dma source(%dma_start3A_79 : memref<512xi32, #tpu.memory_space<hbm>>) target(%arg10 : memref<512xi32, #tpu.memory_space<vmem>>) target_semaphore(%run_scoped3A : memref<!tpu.dma_semaphore, #tpu.memory_space<semaphore_mem>>)
      %dma_wait3A = tpu.memref_slice %arg3[%mul3A_2] : memref<16384xi32, #tpu.memory_space<hbm>> -> memref<512xi32, #tpu.memory_space<hbm>>
      %dma_wait3A_80 = tpu.memref_slice %arg3[%mul3A_2] : memref<16384xi32, #tpu.memory_space<hbm>> -> memref<512xi32, #tpu.memory_space<hbm>>
      tpu.wait_dma2 semaphore(%run_scoped3A : memref<!tpu.dma_semaphore, #tpu.memory_space<semaphore_mem>>) src(%dma_wait3A_80 : memref<512xi32, #tpu.memory_space<hbm>>) dst(%arg10 : memref<512xi32, #tpu.memory_space<vmem>>)
      tpu.yield
    }) : () -> ()
    %scan3A = arith.constant 0 : i32
    %scan3A_3 = arith.constant 0 : i32
    %scan3A_4 = arith.constant 32 : i32
    %scan3A_5 = arith.addi %scan3A_3, %scan3A_4 : i32
    %scan3A_6 = arith.constant 1 : i32
    scf.for %scan3A_79 = %scan3A_3 to %scan3A_5 step %scan3A_6  : i32 {
      %mul3A_80 = arith.constant 16 : i32
      %mul3A_81 = arith.muli %scan3A_79, %mul3A_80 : i32
      %get3A_82 = arith.index_cast %mul3A_81 : i32 to index
      %get3A_83 = tpu.vector_load %arg9[%get3A_82] {strides = array<i32>} : memref<512xi32, #tpu.memory_space<vmem>>, vector<16xi32>,
      %get3A_84 = vector.shape_cast %get3A_83 : vector<16xi32> to vector<16xi32>
      %get3A_85 = arith.index_cast %mul3A_81 : i32 to index
      %get3A_86 = tpu.vector_load %arg10[%get3A_85] {strides = array<i32>} : memref<512xi32, #tpu.memory_space<vmem>>, vector<16xi32>,
      %get3A_87 = vector.shape_cast %get3A_86 : vector<16xi32> to vector<16xi32>
      %shift_right_arithmetic3A_88 = arith.constant 16 : i32
      %shift_right_arithmetic3A_89 = vector.broadcast %shift_right_arithmetic3A_88 : i32 to vector<16xi32>
      %shift_right_arithmetic3A_90 = arith.shrsi %get3A_84, %shift_right_arithmetic3A_89 : vector<16xi32>
      %shift_left3A_91 = arith.constant 14 : i32
      %shift_left3A_92 = vector.broadcast %shift_left3A_91 : i32 to vector<16xi32>
      %shift_left3A_93 = arith.shli %shift_right_arithmetic3A_90, %shift_left3A_92 : vector<16xi32>
      %and3A_94 = arith.constant 16383 : i32
      %and3A_95 = vector.broadcast %and3A_94 : i32 to vector<16xi32>
      %and3A_96 = arith.andi %get3A_84, %and3A_95 : vector<16xi32>
      %or3A_97 = arith.ori %shift_left3A_93, %and3A_96 : vector<16xi32>
      %swap3A = arith.index_cast %mul3A_81 : i32 to index
      %swap3A_98 = tpu.vector_load %arg11[%swap3A] {strides = array<i32>} : memref<512xi32, #tpu.memory_space<vmem>>, vector<16xi32>,
      %swap3A_99 = vector.shape_cast %swap3A_98 : vector<16xi32> to vector<16xi32>
      %swap3A_100 = vector.shape_cast %or3A_97 : vector<16xi32> to vector<16xi32>
      tpu.vector_store %arg11[%swap3A], %swap3A_100 {strides = array<i32>} : memref<512xi32, #tpu.memory_space<vmem>>, vector<16xi32>,
      %shift_right_arithmetic3A_101 = arith.constant 16 : i32
      %shift_right_arithmetic3A_102 = vector.broadcast %shift_right_arithmetic3A_101 : i32 to vector<16xi32>
      %shift_right_arithmetic3A_103 = arith.shrsi %get3A_87, %shift_right_arithmetic3A_102 : vector<16xi32>
      %shift_left3A_104 = arith.constant 14 : i32
      %shift_left3A_105 = vector.broadcast %shift_left3A_104 : i32 to vector<16xi32>
      %shift_left3A_106 = arith.shli %shift_right_arithmetic3A_103, %shift_left3A_105 : vector<16xi32>
      %and3A_107 = arith.constant 16383 : i32
      %and3A_108 = vector.broadcast %and3A_107 : i32 to vector<16xi32>
      %and3A_109 = arith.andi %get3A_87, %and3A_108 : vector<16xi32>
      %or3A_110 = arith.ori %shift_left3A_106, %and3A_109 : vector<16xi32>
      %swap3A_111 = arith.index_cast %mul3A_81 : i32 to index
      %swap3A_112 = tpu.vector_load %arg12[%swap3A_111] {strides = array<i32>} : memref<512xi32, #tpu.memory_space<vmem>>, vector<16xi32>,
      %swap3A_113 = vector.shape_cast %swap3A_112 : vector<16xi32> to vector<16xi32>
      %swap3A_114 = vector.shape_cast %or3A_110 : vector<16xi32> to vector<16xi32>
      tpu.vector_store %arg12[%swap3A_111], %swap3A_114 {strides = array<i32>} : memref<512xi32, #tpu.memory_space<vmem>>, vector<16xi32>,
    }
    %scan3A_7 = arith.constant 32 : i32
    %get3A = arith.constant 0 : index
    %get3A_8 = tpu.vector_load %arg16[%get3A] {strides = array<i32>} : memref<32xf32, #tpu.memory_space<vmem>>, vector<16xf32>,
    %get3A_9 = vector.shape_cast %get3A_8 : vector<16xf32> to vector<16xf32>
    %get3A_10 = arith.constant 16 : index
    %get3A_11 = tpu.vector_load %arg16[%get3A_10] {strides = array<i32>} : memref<32xf32, #tpu.memory_space<vmem>>, vector<16xf32>,
    %get3A_12 = vector.shape_cast %get3A_11 : vector<16xf32> to vector<16xf32>
    %get3A_13 = arith.constant 0 : index
    %get3A_14 = tpu.vector_load %arg17[%get3A_13] {strides = array<i32>} : memref<16xf32, #tpu.memory_space<vmem>>, vector<16xf32>,
    %get3A_15 = vector.shape_cast %get3A_14 : vector<16xf32> to vector<16xf32>
    %iota3A = tpu.iota {dimensions = array<i32: 0>} : vector<16xi32>
    %and3A = arith.constant 8 : i32
    %and3A_16 = vector.broadcast %and3A : i32 to vector<16xi32>
    %and3A_17 = arith.andi %iota3A, %and3A_16 : vector<16xi32>
    %eq3A = arith.constant 0 : i32
    %eq3A_18 = vector.broadcast %eq3A : i32 to vector<16xi32>
    %eq3A_19 = arith.cmpi eq, %and3A_17, %eq3A_18 : vector<16xi32>
    %and3A_20 = arith.constant 4 : i32
    %and3A_21 = vector.broadcast %and3A_20 : i32 to vector<16xi32>
    %and3A_22 = arith.andi %iota3A, %and3A_21 : vector<16xi32>
    %eq3A_23 = arith.constant 0 : i32
    %eq3A_24 = vector.broadcast %eq3A_23 : i32 to vector<16xi32>
    %eq3A_25 = arith.cmpi eq, %and3A_22, %eq3A_24 : vector<16xi32>
    %and3A_26 = arith.constant 2 : i32
    %and3A_27 = vector.broadcast %and3A_26 : i32 to vector<16xi32>
    %and3A_28 = arith.andi %iota3A, %and3A_27 : vector<16xi32>
    %eq3A_29 = arith.constant 0 : i32
    %eq3A_30 = vector.broadcast %eq3A_29 : i32 to vector<16xi32>
    %eq3A_31 = arith.cmpi eq, %and3A_28, %eq3A_30 : vector<16xi32>
    %and3A_32 = arith.constant 1 : i32
    %and3A_33 = vector.broadcast %and3A_32 : i32 to vector<16xi32>
    %and3A_34 = arith.andi %iota3A, %and3A_33 : vector<16xi32>
    %eq3A_35 = arith.constant 0 : i32
    %eq3A_36 = vector.broadcast %eq3A_35 : i32 to vector<16xi32>
    %eq3A_37 = arith.cmpi eq, %and3A_34, %eq3A_36 : vector<16xi32>
    %xor3A = arith.constant 8 : i32
    %xor3A_38 = vector.broadcast %xor3A : i32 to vector<16xi32>
    %xor3A_39 = arith.xori %iota3A, %xor3A_38 : vector<16xi32>
    %xor3A_40 = arith.constant 4 : i32
    %xor3A_41 = vector.broadcast %xor3A_40 : i32 to vector<16xi32>
    %xor3A_42 = arith.xori %iota3A, %xor3A_41 : vector<16xi32>
    %xor3A_43 = arith.constant 2 : i32
    %xor3A_44 = vector.broadcast %xor3A_43 : i32 to vector<16xi32>
    %xor3A_45 = arith.xori %iota3A, %xor3A_44 : vector<16xi32>
    %xor3A_46 = arith.constant 1 : i32
    %xor3A_47 = vector.broadcast %xor3A_46 : i32 to vector<16xi32>
    %xor3A_48 = arith.xori %iota3A, %xor3A_47 : vector<16xi32>
    %and3A_49 = arith.constant 1 : i32
    %and3A_50 = vector.broadcast %and3A_49 : i32 to vector<16xi32>
    %and3A_51 = arith.andi %iota3A, %and3A_50 : vector<16xi32>
    %shift_left3A = arith.constant 3 : i32
    %shift_left3A_52 = vector.broadcast %shift_left3A : i32 to vector<16xi32>
    %shift_left3A_53 = arith.shli %and3A_51, %shift_left3A_52 : vector<16xi32>
    %and3A_54 = arith.constant 2 : i32
    %and3A_55 = vector.broadcast %and3A_54 : i32 to vector<16xi32>
    %and3A_56 = arith.andi %iota3A, %and3A_55 : vector<16xi32>
    %shift_left3A_57 = arith.constant 1 : i32
    %shift_left3A_58 = vector.broadcast %shift_left3A_57 : i32 to vector<16xi32>
    %shift_left3A_59 = arith.shli %and3A_56, %shift_left3A_58 : vector<16xi32>
    %or3A = arith.ori %shift_left3A_53, %shift_left3A_59 : vector<16xi32>
    %and3A_60 = arith.constant 4 : i32
    %and3A_61 = vector.broadcast %and3A_60 : i32 to vector<16xi32>
    %and3A_62 = arith.andi %iota3A, %and3A_61 : vector<16xi32>
    %shift_right_arithmetic3A = arith.constant 1 : i32
    %shift_right_arithmetic3A_63 = vector.broadcast %shift_right_arithmetic3A : i32 to vector<16xi32>
    %shift_right_arithmetic3A_64 = arith.shrsi %and3A_62, %shift_right_arithmetic3A_63 : vector<16xi32>
    %or3A_65 = arith.ori %or3A, %shift_right_arithmetic3A_64 : vector<16xi32>
    %and3A_66 = arith.constant 8 : i32
    %and3A_67 = vector.broadcast %and3A_66 : i32 to vector<16xi32>
    %and3A_68 = arith.andi %iota3A, %and3A_67 : vector<16xi32>
    %shift_right_arithmetic3A_69 = arith.constant 3 : i32
    %shift_right_arithmetic3A_70 = vector.broadcast %shift_right_arithmetic3A_69 : i32 to vector<16xi32>
    %shift_right_arithmetic3A_71 = arith.shrsi %and3A_68, %shift_right_arithmetic3A_70 : vector<16xi32>
    %or3A_72 = arith.ori %or3A_65, %shift_right_arithmetic3A_71 : vector<16xi32>
    %scan3A_73 = arith.constant 0 : i32
    %scan3A_74 = arith.constant 0 : i32
    %scan3A_75 = arith.constant 2 : i32
    %scan3A_76 = arith.addi %scan3A_74, %scan3A_75 : i32
    %scan3A_77 = arith.constant 1 : i32
    scf.for %scan3A_79 = %scan3A_74 to %scan3A_76 step %scan3A_77  : i32 {
      %mul3A_80 = arith.constant 256 : i32
      %mul3A_81 = arith.muli %scan3A_79, %mul3A_80 : i32
      %dma_start3A = tpu.memref_slice %arg11[%mul3A_81] : memref<512xi32, #tpu.memory_space<vmem>> -> memref<256xi32, #tpu.memory_space<vmem>>
      %dma_start3A_82 = arith.constant 0 : i32
      %dma_start3A_83 = arith.constant 0 : i32
      %dma_start3A_84 = tpu.memref_slice %arg4[%dma_start3A_82, %dma_start3A_83] : memref<262144x128xf32, #tpu.memory_space<hbm>> -> memref<262144x128xf32, #tpu.memory_space<hbm>>
      tpu.enqueue_indirect_dma source(%dma_start3A_84 : memref<262144x128xf32, #tpu.memory_space<hbm>>) target(%arg13 : memref<256x128xf32, #tpu.memory_space<vmem>>) offsets(%dma_start3A : memref<256xi32, #tpu.memory_space<vmem>>) semaphore(%arg18 : memref<!tpu.dma_semaphore, #tpu.memory_space<semaphore_mem>>)
      %dma_start3A_85 = tpu.memref_slice %arg12[%mul3A_81] : memref<512xi32, #tpu.memory_space<vmem>> -> memref<256xi32, #tpu.memory_space<vmem>>
      %dma_start3A_86 = arith.constant 0 : i32
      %dma_start3A_87 = arith.constant 0 : i32
      %dma_start3A_88 = tpu.memref_slice %arg5[%dma_start3A_86, %dma_start3A_87] : memref<262144x128xf32, #tpu.memory_space<hbm>> -> memref<262144x128xf32, #tpu.memory_space<hbm>>
      tpu.enqueue_indirect_dma source(%dma_start3A_88 : memref<262144x128xf32, #tpu.memory_space<hbm>>) target(%arg14 : memref<256x128xf32, #tpu.memory_space<vmem>>) offsets(%dma_start3A_85 : memref<256xi32, #tpu.memory_space<vmem>>) semaphore(%arg18 : memref<!tpu.dma_semaphore, #tpu.memory_space<semaphore_mem>>)
      %dma_wait3A = tpu.memref_slice %arg11[%mul3A_81] : memref<512xi32, #tpu.memory_space<vmem>> -> memref<256xi32, #tpu.memory_space<vmem>>
      %dma_wait3A_89 = arith.constant 0 : i32
      %dma_wait3A_90 = arith.constant 0 : i32
      %dma_wait3A_91 = tpu.memref_slice %arg4[%dma_wait3A_89, %dma_wait3A_90] : memref<262144x128xf32, #tpu.memory_space<hbm>> -> memref<262144x128xf32, #tpu.memory_space<hbm>>
      tpu.wait_indirect_dma semaphore(%arg18 : memref<!tpu.dma_semaphore, #tpu.memory_space<semaphore_mem>>) src(%dma_wait3A_91 : memref<262144x128xf32, #tpu.memory_space<hbm>>) dst(%arg13 : memref<256x128xf32, #tpu.memory_space<vmem>>)
      %dma_wait3A_92 = tpu.memref_slice %arg12[%mul3A_81] : memref<512xi32, #tpu.memory_space<vmem>> -> memref<256xi32, #tpu.memory_space<vmem>>
      %dma_wait3A_93 = arith.constant 0 : i32
      %dma_wait3A_94 = arith.constant 0 : i32
      %dma_wait3A_95 = tpu.memref_slice %arg5[%dma_wait3A_93, %dma_wait3A_94] : memref<262144x128xf32, #tpu.memory_space<hbm>> -> memref<262144x128xf32, #tpu.memory_space<hbm>>
      tpu.wait_indirect_dma semaphore(%arg18 : memref<!tpu.dma_semaphore, #tpu.memory_space<semaphore_mem>>) src(%dma_wait3A_95 : memref<262144x128xf32, #tpu.memory_space<hbm>>) dst(%arg14 : memref<256x128xf32, #tpu.memory_space<vmem>>)
      %scan3A_96 = arith.constant 0 : i32
      %scan3A_97 = arith.constant 0 : i32
      %scan3A_98 = arith.constant 16 : i32
      %scan3A_99 = arith.addi %scan3A_97, %scan3A_98 : i32
      %scan3A_100 = arith.constant 1 : i32
      scf.for %scan3A_102 = %scan3A_97 to %scan3A_99 step %scan3A_100  : i32 {
        %mul3A_103 = arith.constant 16 : i32
        %mul3A_104 = arith.muli %scan3A_102, %mul3A_103 : i32
        %add3A_105 = arith.addi %mul3A_81, %mul3A_104 : i32
        %get3A_106 = arith.index_cast %add3A_105 : i32 to index
        %get3A_107 = tpu.vector_load %arg9[%get3A_106] {strides = array<i32>} : memref<512xi32, #tpu.memory_space<vmem>>, vector<16xi32>,
        %get3A_108 = vector.shape_cast %get3A_107 : vector<16xi32> to vector<16xi32>
        %shift_right_arithmetic3A_109 = arith.constant 14 : i32
        %shift_right_arithmetic3A_110 = vector.broadcast %shift_right_arithmetic3A_109 : i32 to vector<16xi32>
        %shift_right_arithmetic3A_111 = arith.shrsi %get3A_108, %shift_right_arithmetic3A_110 : vector<16xi32>
        %and3A_112 = arith.constant 3 : i32
        %and3A_113 = vector.broadcast %and3A_112 : i32 to vector<16xi32>
        %and3A_114 = arith.andi %shift_right_arithmetic3A_111, %and3A_113 : vector<16xi32>
        %shift_left3A_115 = arith.constant 5 : i32
        %shift_left3A_116 = vector.broadcast %shift_left3A_115 : i32 to vector<16xi32>
        %shift_left3A_117 = arith.shli %and3A_114, %shift_left3A_116 : vector<16xi32>
        %add3A_118 = arith.addi %mul3A_81, %mul3A_104 : i32
        %get3A_119 = arith.index_cast %add3A_118 : i32 to index
        %get3A_120 = tpu.vector_load %arg10[%get3A_119] {strides = array<i32>} : memref<512xi32, #tpu.memory_space<vmem>>, vector<16xi32>,
        %get3A_121 = vector.shape_cast %get3A_120 : vector<16xi32> to vector<16xi32>
        %shift_right_arithmetic3A_122 = arith.constant 14 : i32
        %shift_right_arithmetic3A_123 = vector.broadcast %shift_right_arithmetic3A_122 : i32 to vector<16xi32>
        %shift_right_arithmetic3A_124 = arith.shrsi %get3A_121, %shift_right_arithmetic3A_123 : vector<16xi32>
        %and3A_125 = arith.constant 3 : i32
        %and3A_126 = vector.broadcast %and3A_125 : i32 to vector<16xi32>
        %and3A_127 = arith.andi %shift_right_arithmetic3A_124, %and3A_126 : vector<16xi32>
        %shift_left3A_128 = arith.constant 5 : i32
        %shift_left3A_129 = vector.broadcast %shift_left3A_128 : i32 to vector<16xi32>
        %shift_left3A_130 = arith.shli %and3A_127, %shift_left3A_129 : vector<16xi32>
        %add3A_131 = arith.constant 0 : i32
        %add3A_132 = arith.addi %mul3A_104, %add3A_131 : i32
        %slice3A = vector.extract_strided_slice %shift_left3A_117 {offsets = [0], sizes = [1], strides = [1]} : vector<16xi32> to vector<1xi32>
        %squeeze3A = vector.extract %slice3A[0] : i32 from vector<1xi32>
        %slice3A_133 = vector.extract_strided_slice %shift_left3A_130 {offsets = [0], sizes = [1], strides = [1]} : vector<16xi32> to vector<1xi32>
        %squeeze3A_134 = vector.extract %slice3A_133[0] : i32 from vector<1xi32>
        %get3A_135 = arith.index_cast %add3A_132 : i32 to index
        %get3A_136 = arith.index_cast %squeeze3A : i32 to index
        %get3A_137 = tpu.vector_load %arg13[%get3A_135, %get3A_136] {strides = array<i32>} : memref<256x128xf32, #tpu.memory_space<vmem>>, vector<1x16xf32>,
        %get3A_138 = vector.shape_cast %get3A_137 : vector<1x16xf32> to vector<16xf32>
        %add3A_139 = arith.constant 16 : i32
        %add3A_140 = arith.addi %squeeze3A, %add3A_139 : i32
        %get3A_141 = arith.index_cast %add3A_132 : i32 to index
        %get3A_142 = arith.index_cast %add3A_140 : i32 to index
        %get3A_143 = tpu.vector_load %arg13[%get3A_141, %get3A_142] {strides = array<i32>} : memref<256x128xf32, #tpu.memory_space<vmem>>, vector<1x16xf32>,
        %get3A_144 = vector.shape_cast %get3A_143 : vector<1x16xf32> to vector<16xf32>
        %get3A_145 = arith.index_cast %add3A_132 : i32 to index
        %get3A_146 = arith.index_cast %squeeze3A_134 : i32 to index
        %get3A_147 = tpu.vector_load %arg14[%get3A_145, %get3A_146] {strides = array<i32>} : memref<256x128xf32, #tpu.memory_space<vmem>>, vector<1x16xf32>,
        %get3A_148 = vector.shape_cast %get3A_147 : vector<1x16xf32> to vector<16xf32>
        %add3A_149 = arith.constant 16 : i32
        %add3A_150 = arith.addi %squeeze3A_134, %add3A_149 : i32
        %get3A_151 = arith.index_cast %add3A_132 : i32 to index
        %get3A_152 = arith.index_cast %add3A_150 : i32 to index
        %get3A_153 = tpu.vector_load %arg14[%get3A_151, %get3A_152] {strides = array<i32>} : memref<256x128xf32, #tpu.memory_space<vmem>>, vector<1x16xf32>,
        %get3A_154 = vector.shape_cast %get3A_153 : vector<1x16xf32> to vector<16xf32>
        %mul3A_155 = arith.mulf %get3A_138, %get3A_148 : vector<16xf32>
        %mul3A_156 = arith.mulf %mul3A_155, %get3A_9 : vector<16xf32>
        %mul3A_157 = arith.mulf %get3A_144, %get3A_154 : vector<16xf32>
        %mul3A_158 = arith.mulf %mul3A_157, %get3A_12 : vector<16xf32>
        %add3A_159 = arith.addf %mul3A_156, %mul3A_158 : vector<16xf32>
        %add3A_160 = arith.constant 1 : i32
        %add3A_161 = arith.addi %mul3A_104, %add3A_160 : i32
        %slice3A_162 = vector.extract_strided_slice %shift_left3A_117 {offsets = [1], sizes = [1], strides = [1]} : vector<16xi32> to vector<1xi32>
        %squeeze3A_163 = vector.extract %slice3A_162[0] : i32 from vector<1xi32>
        %slice3A_164 = vector.extract_strided_slice %shift_left3A_130 {offsets = [1], sizes = [1], strides = [1]} : vector<16xi32> to vector<1xi32>
        %squeeze3A_165 = vector.extract %slice3A_164[0] : i32 from vector<1xi32>
        %get3A_166 = arith.index_cast %add3A_161 : i32 to index
        %get3A_167 = arith.index_cast %squeeze3A_163 : i32 to index
        %get3A_168 = tpu.vector_load %arg13[%get3A_166, %get3A_167] {strides = array<i32>} : memref<256x128xf32, #tpu.memory_space<vmem>>, vector<1x16xf32>,
        %get3A_169 = vector.shape_cast %get3A_168 : vector<1x16xf32> to vector<16xf32>
        %add3A_170 = arith.constant 16 : i32
        %add3A_171 = arith.addi %squeeze3A_163, %add3A_170 : i32
        %get3A_172 = arith.index_cast %add3A_161 : i32 to index
        %get3A_173 = arith.index_cast %add3A_171 : i32 to index
        %get3A_174 = tpu.vector_load %arg13[%get3A_172, %get3A_173] {strides = array<i32>} : memref<256x128xf32, #tpu.memory_space<vmem>>, vector<1x16xf32>,
        %get3A_175 = vector.shape_cast %get3A_174 : vector<1x16xf32> to vector<16xf32>
        %get3A_176 = arith.index_cast %add3A_161 : i32 to index
        %get3A_177 = arith.index_cast %squeeze3A_165 : i32 to index
        %get3A_178 = tpu.vector_load %arg14[%get3A_176, %get3A_177] {strides = array<i32>} : memref<256x128xf32, #tpu.memory_space<vmem>>, vector<1x16xf32>,
        %get3A_179 = vector.shape_cast %get3A_178 : vector<1x16xf32> to vector<16xf32>
        %add3A_180 = arith.constant 16 : i32
        %add3A_181 = arith.addi %squeeze3A_165, %add3A_180 : i32
        %get3A_182 = arith.index_cast %add3A_161 : i32 to index
        %get3A_183 = arith.index_cast %add3A_181 : i32 to index
        %get3A_184 = tpu.vector_load %arg14[%get3A_182, %get3A_183] {strides = array<i32>} : memref<256x128xf32, #tpu.memory_space<vmem>>, vector<1x16xf32>,
        %get3A_185 = vector.shape_cast %get3A_184 : vector<1x16xf32> to vector<16xf32>
        %mul3A_186 = arith.mulf %get3A_169, %get3A_179 : vector<16xf32>
        %mul3A_187 = arith.mulf %mul3A_186, %get3A_9 : vector<16xf32>
        %mul3A_188 = arith.mulf %get3A_175, %get3A_185 : vector<16xf32>
        %mul3A_189 = arith.mulf %mul3A_188, %get3A_12 : vector<16xf32>
        %add3A_190 = arith.addf %mul3A_187, %mul3A_189 : vector<16xf32>
        %add3A_191 = arith.constant 2 : i32
        %add3A_192 = arith.addi %mul3A_104, %add3A_191 : i32
        %slice3A_193 = vector.extract_strided_slice %shift_left3A_117 {offsets = [2], sizes = [1], strides = [1]} : vector<16xi32> to vector<1xi32>
        %squeeze3A_194 = vector.extract %slice3A_193[0] : i32 from vector<1xi32>
        %slice3A_195 = vector.extract_strided_slice %shift_left3A_130 {offsets = [2], sizes = [1], strides = [1]} : vector<16xi32> to vector<1xi32>
        %squeeze3A_196 = vector.extract %slice3A_195[0] : i32 from vector<1xi32>
        %get3A_197 = arith.index_cast %add3A_192 : i32 to index
        %get3A_198 = arith.index_cast %squeeze3A_194 : i32 to index
        %get3A_199 = tpu.vector_load %arg13[%get3A_197, %get3A_198] {strides = array<i32>} : memref<256x128xf32, #tpu.memory_space<vmem>>, vector<1x16xf32>,
        %get3A_200 = vector.shape_cast %get3A_199 : vector<1x16xf32> to vector<16xf32>
        %add3A_201 = arith.constant 16 : i32
        %add3A_202 = arith.addi %squeeze3A_194, %add3A_201 : i32
        %get3A_203 = arith.index_cast %add3A_192 : i32 to index
        %get3A_204 = arith.index_cast %add3A_202 : i32 to index
        %get3A_205 = tpu.vector_load %arg13[%get3A_203, %get3A_204] {strides = array<i32>} : memref<256x128xf32, #tpu.memory_space<vmem>>, vector<1x16xf32>,
        %get3A_206 = vector.shape_cast %get3A_205 : vector<1x16xf32> to vector<16xf32>
        %get3A_207 = arith.index_cast %add3A_192 : i32 to index
        %get3A_208 = arith.index_cast %squeeze3A_196 : i32 to index
        %get3A_209 = tpu.vector_load %arg14[%get3A_207, %get3A_208] {strides = array<i32>} : memref<256x128xf32, #tpu.memory_space<vmem>>, vector<1x16xf32>,
        %get3A_210 = vector.shape_cast %get3A_209 : vector<1x16xf32> to vector<16xf32>
        %add3A_211 = arith.constant 16 : i32
        %add3A_212 = arith.addi %squeeze3A_196, %add3A_211 : i32
        %get3A_213 = arith.index_cast %add3A_192 : i32 to index
        %get3A_214 = arith.index_cast %add3A_212 : i32 to index
        %get3A_215 = tpu.vector_load %arg14[%get3A_213, %get3A_214] {strides = array<i32>} : memref<256x128xf32, #tpu.memory_space<vmem>>, vector<1x16xf32>,
        %get3A_216 = vector.shape_cast %get3A_215 : vector<1x16xf32> to vector<16xf32>
        %mul3A_217 = arith.mulf %get3A_200, %get3A_210 : vector<16xf32>
        %mul3A_218 = arith.mulf %mul3A_217, %get3A_9 : vector<16xf32>
        %mul3A_219 = arith.mulf %get3A_206, %get3A_216 : vector<16xf32>
        %mul3A_220 = arith.mulf %mul3A_219, %get3A_12 : vector<16xf32>
        %add3A_221 = arith.addf %mul3A_218, %mul3A_220 : vector<16xf32>
        %add3A_222 = arith.constant 3 : i32
        %add3A_223 = arith.addi %mul3A_104, %add3A_222 : i32
        %slice3A_224 = vector.extract_strided_slice %shift_left3A_117 {offsets = [3], sizes = [1], strides = [1]} : vector<16xi32> to vector<1xi32>
        %squeeze3A_225 = vector.extract %slice3A_224[0] : i32 from vector<1xi32>
        %slice3A_226 = vector.extract_strided_slice %shift_left3A_130 {offsets = [3], sizes = [1], strides = [1]} : vector<16xi32> to vector<1xi32>
        %squeeze3A_227 = vector.extract %slice3A_226[0] : i32 from vector<1xi32>
        %get3A_228 = arith.index_cast %add3A_223 : i32 to index
        %get3A_229 = arith.index_cast %squeeze3A_225 : i32 to index
        %get3A_230 = tpu.vector_load %arg13[%get3A_228, %get3A_229] {strides = array<i32>} : memref<256x128xf32, #tpu.memory_space<vmem>>, vector<1x16xf32>,
        %get3A_231 = vector.shape_cast %get3A_230 : vector<1x16xf32> to vector<16xf32>
        %add3A_232 = arith.constant 16 : i32
        %add3A_233 = arith.addi %squeeze3A_225, %add3A_232 : i32
        %get3A_234 = arith.index_cast %add3A_223 : i32 to index
        %get3A_235 = arith.index_cast %add3A_233 : i32 to index
        %get3A_236 = tpu.vector_load %arg13[%get3A_234, %get3A_235] {strides = array<i32>} : memref<256x128xf32, #tpu.memory_space<vmem>>, vector<1x16xf32>,
        %get3A_237 = vector.shape_cast %get3A_236 : vector<1x16xf32> to vector<16xf32>
        %get3A_238 = arith.index_cast %add3A_223 : i32 to index
        %get3A_239 = arith.index_cast %squeeze3A_227 : i32 to index
        %get3A_240 = tpu.vector_load %arg14[%get3A_238, %get3A_239] {strides = array<i32>} : memref<256x128xf32, #tpu.memory_space<vmem>>, vector<1x16xf32>,
        %get3A_241 = vector.shape_cast %get3A_240 : vector<1x16xf32> to vector<16xf32>
        %add3A_242 = arith.constant 16 : i32
        %add3A_243 = arith.addi %squeeze3A_227, %add3A_242 : i32
        %get3A_244 = arith.index_cast %add3A_223 : i32 to index
        %get3A_245 = arith.index_cast %add3A_243 : i32 to index
        %get3A_246 = tpu.vector_load %arg14[%get3A_244, %get3A_245] {strides = array<i32>} : memref<256x128xf32, #tpu.memory_space<vmem>>, vector<1x16xf32>,
        %get3A_247 = vector.shape_cast %get3A_246 : vector<1x16xf32> to vector<16xf32>
        %mul3A_248 = arith.mulf %get3A_231, %get3A_241 : vector<16xf32>
        %mul3A_249 = arith.mulf %mul3A_248, %get3A_9 : vector<16xf32>
        %mul3A_250 = arith.mulf %get3A_237, %get3A_247 : vector<16xf32>
        %mul3A_251 = arith.mulf %mul3A_250, %get3A_12 : vector<16xf32>
        %add3A_252 = arith.addf %mul3A_249, %mul3A_251 : vector<16xf32>
        %add3A_253 = arith.constant 4 : i32
        %add3A_254 = arith.addi %mul3A_104, %add3A_253 : i32
        %slice3A_255 = vector.extract_strided_slice %shift_left3A_117 {offsets = [4], sizes = [1], strides = [1]} : vector<16xi32> to vector<1xi32>
        %squeeze3A_256 = vector.extract %slice3A_255[0] : i32 from vector<1xi32>
        %slice3A_257 = vector.extract_strided_slice %shift_left3A_130 {offsets = [4], sizes = [1], strides = [1]} : vector<16xi32> to vector<1xi32>
        %squeeze3A_258 = vector.extract %slice3A_257[0] : i32 from vector<1xi32>
        %get3A_259 = arith.index_cast %add3A_254 : i32 to index
        %get3A_260 = arith.index_cast %squeeze3A_256 : i32 to index
        %get3A_261 = tpu.vector_load %arg13[%get3A_259, %get3A_260] {strides = array<i32>} : memref<256x128xf32, #tpu.memory_space<vmem>>, vector<1x16xf32>,
        %get3A_262 = vector.shape_cast %get3A_261 : vector<1x16xf32> to vector<16xf32>
        %add3A_263 = arith.constant 16 : i32
        %add3A_264 = arith.addi %squeeze3A_256, %add3A_263 : i32
        %get3A_265 = arith.index_cast %add3A_254 : i32 to index
        %get3A_266 = arith.index_cast %add3A_264 : i32 to index
        %get3A_267 = tpu.vector_load %arg13[%get3A_265, %get3A_266] {strides = array<i32>} : memref<256x128xf32, #tpu.memory_space<vmem>>, vector<1x16xf32>,
        %get3A_268 = vector.shape_cast %get3A_267 : vector<1x16xf32> to vector<16xf32>
        %get3A_269 = arith.index_cast %add3A_254 : i32 to index
        %get3A_270 = arith.index_cast %squeeze3A_258 : i32 to index
        %get3A_271 = tpu.vector_load %arg14[%get3A_269, %get3A_270] {strides = array<i32>} : memref<256x128xf32, #tpu.memory_space<vmem>>, vector<1x16xf32>,
        %get3A_272 = vector.shape_cast %get3A_271 : vector<1x16xf32> to vector<16xf32>
        %add3A_273 = arith.constant 16 : i32
        %add3A_274 = arith.addi %squeeze3A_258, %add3A_273 : i32
        %get3A_275 = arith.index_cast %add3A_254 : i32 to index
        %get3A_276 = arith.index_cast %add3A_274 : i32 to index
        %get3A_277 = tpu.vector_load %arg14[%get3A_275, %get3A_276] {strides = array<i32>} : memref<256x128xf32, #tpu.memory_space<vmem>>, vector<1x16xf32>,
        %get3A_278 = vector.shape_cast %get3A_277 : vector<1x16xf32> to vector<16xf32>
        %mul3A_279 = arith.mulf %get3A_262, %get3A_272 : vector<16xf32>
        %mul3A_280 = arith.mulf %mul3A_279, %get3A_9 : vector<16xf32>
        %mul3A_281 = arith.mulf %get3A_268, %get3A_278 : vector<16xf32>
        %mul3A_282 = arith.mulf %mul3A_281, %get3A_12 : vector<16xf32>
        %add3A_283 = arith.addf %mul3A_280, %mul3A_282 : vector<16xf32>
        %add3A_284 = arith.constant 5 : i32
        %add3A_285 = arith.addi %mul3A_104, %add3A_284 : i32
        %slice3A_286 = vector.extract_strided_slice %shift_left3A_117 {offsets = [5], sizes = [1], strides = [1]} : vector<16xi32> to vector<1xi32>
        %squeeze3A_287 = vector.extract %slice3A_286[0] : i32 from vector<1xi32>
        %slice3A_288 = vector.extract_strided_slice %shift_left3A_130 {offsets = [5], sizes = [1], strides = [1]} : vector<16xi32> to vector<1xi32>
        %squeeze3A_289 = vector.extract %slice3A_288[0] : i32 from vector<1xi32>
        %get3A_290 = arith.index_cast %add3A_285 : i32 to index
        %get3A_291 = arith.index_cast %squeeze3A_287 : i32 to index
        %get3A_292 = tpu.vector_load %arg13[%get3A_290, %get3A_291] {strides = array<i32>} : memref<256x128xf32, #tpu.memory_space<vmem>>, vector<1x16xf32>,
        %get3A_293 = vector.shape_cast %get3A_292 : vector<1x16xf32> to vector<16xf32>
        %add3A_294 = arith.constant 16 : i32
        %add3A_295 = arith.addi %squeeze3A_287, %add3A_294 : i32
        %get3A_296 = arith.index_cast %add3A_285 : i32 to index
        %get3A_297 = arith.index_cast %add3A_295 : i32 to index
        %get3A_298 = tpu.vector_load %arg13[%get3A_296, %get3A_297] {strides = array<i32>} : memref<256x128xf32, #tpu.memory_space<vmem>>, vector<1x16xf32>,
        %get3A_299 = vector.shape_cast %get3A_298 : vector<1x16xf32> to vector<16xf32>
        %get3A_300 = arith.index_cast %add3A_285 : i32 to index
        %get3A_301 = arith.index_cast %squeeze3A_289 : i32 to index
        %get3A_302 = tpu.vector_load %arg14[%get3A_300, %get3A_301] {strides = array<i32>} : memref<256x128xf32, #tpu.memory_space<vmem>>, vector<1x16xf32>,
        %get3A_303 = vector.shape_cast %get3A_302 : vector<1x16xf32> to vector<16xf32>
        %add3A_304 = arith.constant 16 : i32
        %add3A_305 = arith.addi %squeeze3A_289, %add3A_304 : i32
        %get3A_306 = arith.index_cast %add3A_285 : i32 to index
        %get3A_307 = arith.index_cast %add3A_305 : i32 to index
        %get3A_308 = tpu.vector_load %arg14[%get3A_306, %get3A_307] {strides = array<i32>} : memref<256x128xf32, #tpu.memory_space<vmem>>, vector<1x16xf32>,
        %get3A_309 = vector.shape_cast %get3A_308 : vector<1x16xf32> to vector<16xf32>
        %mul3A_310 = arith.mulf %get3A_293, %get3A_303 : vector<16xf32>
        %mul3A_311 = arith.mulf %mul3A_310, %get3A_9 : vector<16xf32>
        %mul3A_312 = arith.mulf %get3A_299, %get3A_309 : vector<16xf32>
        %mul3A_313 = arith.mulf %mul3A_312, %get3A_12 : vector<16xf32>
        %add3A_314 = arith.addf %mul3A_311, %mul3A_313 : vector<16xf32>
        %add3A_315 = arith.constant 6 : i32
        %add3A_316 = arith.addi %mul3A_104, %add3A_315 : i32
        %slice3A_317 = vector.extract_strided_slice %shift_left3A_117 {offsets = [6], sizes = [1], strides = [1]} : vector<16xi32> to vector<1xi32>
        %squeeze3A_318 = vector.extract %slice3A_317[0] : i32 from vector<1xi32>
        %slice3A_319 = vector.extract_strided_slice %shift_left3A_130 {offsets = [6], sizes = [1], strides = [1]} : vector<16xi32> to vector<1xi32>
        %squeeze3A_320 = vector.extract %slice3A_319[0] : i32 from vector<1xi32>
        %get3A_321 = arith.index_cast %add3A_316 : i32 to index
        %get3A_322 = arith.index_cast %squeeze3A_318 : i32 to index
        %get3A_323 = tpu.vector_load %arg13[%get3A_321, %get3A_322] {strides = array<i32>} : memref<256x128xf32, #tpu.memory_space<vmem>>, vector<1x16xf32>,
        %get3A_324 = vector.shape_cast %get3A_323 : vector<1x16xf32> to vector<16xf32>
        %add3A_325 = arith.constant 16 : i32
        %add3A_326 = arith.addi %squeeze3A_318, %add3A_325 : i32
        %get3A_327 = arith.index_cast %add3A_316 : i32 to index
        %get3A_328 = arith.index_cast %add3A_326 : i32 to index
        %get3A_329 = tpu.vector_load %arg13[%get3A_327, %get3A_328] {strides = array<i32>} : memref<256x128xf32, #tpu.memory_space<vmem>>, vector<1x16xf32>,
        %get3A_330 = vector.shape_cast %get3A_329 : vector<1x16xf32> to vector<16xf32>
        %get3A_331 = arith.index_cast %add3A_316 : i32 to index
        %get3A_332 = arith.index_cast %squeeze3A_320 : i32 to index
        %get3A_333 = tpu.vector_load %arg14[%get3A_331, %get3A_332] {strides = array<i32>} : memref<256x128xf32, #tpu.memory_space<vmem>>, vector<1x16xf32>,
        %get3A_334 = vector.shape_cast %get3A_333 : vector<1x16xf32> to vector<16xf32>
        %add3A_335 = arith.constant 16 : i32
        %add3A_336 = arith.addi %squeeze3A_320, %add3A_335 : i32
        %get3A_337 = arith.index_cast %add3A_316 : i32 to index
        %get3A_338 = arith.index_cast %add3A_336 : i32 to index
        %get3A_339 = tpu.vector_load %arg14[%get3A_337, %get3A_338] {strides = array<i32>} : memref<256x128xf32, #tpu.memory_space<vmem>>, vector<1x16xf32>,
        %get3A_340 = vector.shape_cast %get3A_339 : vector<1x16xf32> to vector<16xf32>
        %mul3A_341 = arith.mulf %get3A_324, %get3A_334 : vector<16xf32>
        %mul3A_342 = arith.mulf %mul3A_341, %get3A_9 : vector<16xf32>
        %mul3A_343 = arith.mulf %get3A_330, %get3A_340 : vector<16xf32>
        %mul3A_344 = arith.mulf %mul3A_343, %get3A_12 : vector<16xf32>
        %add3A_345 = arith.addf %mul3A_342, %mul3A_344 : vector<16xf32>
        %add3A_346 = arith.constant 7 : i32
        %add3A_347 = arith.addi %mul3A_104, %add3A_346 : i32
        %slice3A_348 = vector.extract_strided_slice %shift_left3A_117 {offsets = [7], sizes = [1], strides = [1]} : vector<16xi32> to vector<1xi32>
        %squeeze3A_349 = vector.extract %slice3A_348[0] : i32 from vector<1xi32>
        %slice3A_350 = vector.extract_strided_slice %shift_left3A_130 {offsets = [7], sizes = [1], strides = [1]} : vector<16xi32> to vector<1xi32>
        %squeeze3A_351 = vector.extract %slice3A_350[0] : i32 from vector<1xi32>
        %get3A_352 = arith.index_cast %add3A_347 : i32 to index
        %get3A_353 = arith.index_cast %squeeze3A_349 : i32 to index
        %get3A_354 = tpu.vector_load %arg13[%get3A_352, %get3A_353] {strides = array<i32>} : memref<256x128xf32, #tpu.memory_space<vmem>>, vector<1x16xf32>,
        %get3A_355 = vector.shape_cast %get3A_354 : vector<1x16xf32> to vector<16xf32>
        %add3A_356 = arith.constant 16 : i32
        %add3A_357 = arith.addi %squeeze3A_349, %add3A_356 : i32
        %get3A_358 = arith.index_cast %add3A_347 : i32 to index
        %get3A_359 = arith.index_cast %add3A_357 : i32 to index
        %get3A_360 = tpu.vector_load %arg13[%get3A_358, %get3A_359] {strides = array<i32>} : memref<256x128xf32, #tpu.memory_space<vmem>>, vector<1x16xf32>,
        %get3A_361 = vector.shape_cast %get3A_360 : vector<1x16xf32> to vector<16xf32>
        %get3A_362 = arith.index_cast %add3A_347 : i32 to index
        %get3A_363 = arith.index_cast %squeeze3A_351 : i32 to index
        %get3A_364 = tpu.vector_load %arg14[%get3A_362, %get3A_363] {strides = array<i32>} : memref<256x128xf32, #tpu.memory_space<vmem>>, vector<1x16xf32>,
        %get3A_365 = vector.shape_cast %get3A_364 : vector<1x16xf32> to vector<16xf32>
        %add3A_366 = arith.constant 16 : i32
        %add3A_367 = arith.addi %squeeze3A_351, %add3A_366 : i32
        %get3A_368 = arith.index_cast %add3A_347 : i32 to index
        %get3A_369 = arith.index_cast %add3A_367 : i32 to index
        %get3A_370 = tpu.vector_load %arg14[%get3A_368, %get3A_369] {strides = array<i32>} : memref<256x128xf32, #tpu.memory_space<vmem>>, vector<1x16xf32>,
        %get3A_371 = vector.shape_cast %get3A_370 : vector<1x16xf32> to vector<16xf32>
        %mul3A_372 = arith.mulf %get3A_355, %get3A_365 : vector<16xf32>
        %mul3A_373 = arith.mulf %mul3A_372, %get3A_9 : vector<16xf32>
        %mul3A_374 = arith.mulf %get3A_361, %get3A_371 : vector<16xf32>
        %mul3A_375 = arith.mulf %mul3A_374, %get3A_12 : vector<16xf32>
        %add3A_376 = arith.addf %mul3A_373, %mul3A_375 : vector<16xf32>
        %add3A_377 = arith.constant 8 : i32
        %add3A_378 = arith.addi %mul3A_104, %add3A_377 : i32
        %slice3A_379 = vector.extract_strided_slice %shift_left3A_117 {offsets = [8], sizes = [1], strides = [1]} : vector<16xi32> to vector<1xi32>
        %squeeze3A_380 = vector.extract %slice3A_379[0] : i32 from vector<1xi32>
        %slice3A_381 = vector.extract_strided_slice %shift_left3A_130 {offsets = [8], sizes = [1], strides = [1]} : vector<16xi32> to vector<1xi32>
        %squeeze3A_382 = vector.extract %slice3A_381[0] : i32 from vector<1xi32>
        %get3A_383 = arith.index_cast %add3A_378 : i32 to index
        %get3A_384 = arith.index_cast %squeeze3A_380 : i32 to index
        %get3A_385 = tpu.vector_load %arg13[%get3A_383, %get3A_384] {strides = array<i32>} : memref<256x128xf32, #tpu.memory_space<vmem>>, vector<1x16xf32>,
        %get3A_386 = vector.shape_cast %get3A_385 : vector<1x16xf32> to vector<16xf32>
        %add3A_387 = arith.constant 16 : i32
        %add3A_388 = arith.addi %squeeze3A_380, %add3A_387 : i32
        %get3A_389 = arith.index_cast %add3A_378 : i32 to index
        %get3A_390 = arith.index_cast %add3A_388 : i32 to index
        %get3A_391 = tpu.vector_load %arg13[%get3A_389, %get3A_390] {strides = array<i32>} : memref<256x128xf32, #tpu.memory_space<vmem>>, vector<1x16xf32>,
        %get3A_392 = vector.shape_cast %get3A_391 : vector<1x16xf32> to vector<16xf32>
        %get3A_393 = arith.index_cast %add3A_378 : i32 to index
        %get3A_394 = arith.index_cast %squeeze3A_382 : i32 to index
        %get3A_395 = tpu.vector_load %arg14[%get3A_393, %get3A_394] {strides = array<i32>} : memref<256x128xf32, #tpu.memory_space<vmem>>, vector<1x16xf32>,
        %get3A_396 = vector.shape_cast %get3A_395 : vector<1x16xf32> to vector<16xf32>
        %add3A_397 = arith.constant 16 : i32
        %add3A_398 = arith.addi %squeeze3A_382, %add3A_397 : i32
        %get3A_399 = arith.index_cast %add3A_378 : i32 to index
        %get3A_400 = arith.index_cast %add3A_398 : i32 to index
        %get3A_401 = tpu.vector_load %arg14[%get3A_399, %get3A_400] {strides = array<i32>} : memref<256x128xf32, #tpu.memory_space<vmem>>, vector<1x16xf32>,
        %get3A_402 = vector.shape_cast %get3A_401 : vector<1x16xf32> to vector<16xf32>
        %mul3A_403 = arith.mulf %get3A_386, %get3A_396 : vector<16xf32>
        %mul3A_404 = arith.mulf %mul3A_403, %get3A_9 : vector<16xf32>
        %mul3A_405 = arith.mulf %get3A_392, %get3A_402 : vector<16xf32>
        %mul3A_406 = arith.mulf %mul3A_405, %get3A_12 : vector<16xf32>
        %add3A_407 = arith.addf %mul3A_404, %mul3A_406 : vector<16xf32>
        %add3A_408 = arith.constant 9 : i32
        %add3A_409 = arith.addi %mul3A_104, %add3A_408 : i32
        %slice3A_410 = vector.extract_strided_slice %shift_left3A_117 {offsets = [9], sizes = [1], strides = [1]} : vector<16xi32> to vector<1xi32>
        %squeeze3A_411 = vector.extract %slice3A_410[0] : i32 from vector<1xi32>
        %slice3A_412 = vector.extract_strided_slice %shift_left3A_130 {offsets = [9], sizes = [1], strides = [1]} : vector<16xi32> to vector<1xi32>
        %squeeze3A_413 = vector.extract %slice3A_412[0] : i32 from vector<1xi32>
        %get3A_414 = arith.index_cast %add3A_409 : i32 to index
        %get3A_415 = arith.index_cast %squeeze3A_411 : i32 to index
        %get3A_416 = tpu.vector_load %arg13[%get3A_414, %get3A_415] {strides = array<i32>} : memref<256x128xf32, #tpu.memory_space<vmem>>, vector<1x16xf32>,
        %get3A_417 = vector.shape_cast %get3A_416 : vector<1x16xf32> to vector<16xf32>
        %add3A_418 = arith.constant 16 : i32
        %add3A_419 = arith.addi %squeeze3A_411, %add3A_418 : i32
        %get3A_420 = arith.index_cast %add3A_409 : i32 to index
        %get3A_421 = arith.index_cast %add3A_419 : i32 to index
        %get3A_422 = tpu.vector_load %arg13[%get3A_420, %get3A_421] {strides = array<i32>} : memref<256x128xf32, #tpu.memory_space<vmem>>, vector<1x16xf32>,
        %get3A_423 = vector.shape_cast %get3A_422 : vector<1x16xf32> to vector<16xf32>
        %get3A_424 = arith.index_cast %add3A_409 : i32 to index
        %get3A_425 = arith.index_cast %squeeze3A_413 : i32 to index
        %get3A_426 = tpu.vector_load %arg14[%get3A_424, %get3A_425] {strides = array<i32>} : memref<256x128xf32, #tpu.memory_space<vmem>>, vector<1x16xf32>,
        %get3A_427 = vector.shape_cast %get3A_426 : vector<1x16xf32> to vector<16xf32>
        %add3A_428 = arith.constant 16 : i32
        %add3A_429 = arith.addi %squeeze3A_413, %add3A_428 : i32
        %get3A_430 = arith.index_cast %add3A_409 : i32 to index
        %get3A_431 = arith.index_cast %add3A_429 : i32 to index
        %get3A_432 = tpu.vector_load %arg14[%get3A_430, %get3A_431] {strides = array<i32>} : memref<256x128xf32, #tpu.memory_space<vmem>>, vector<1x16xf32>,
        %get3A_433 = vector.shape_cast %get3A_432 : vector<1x16xf32> to vector<16xf32>
        %mul3A_434 = arith.mulf %get3A_417, %get3A_427 : vector<16xf32>
        %mul3A_435 = arith.mulf %mul3A_434, %get3A_9 : vector<16xf32>
        %mul3A_436 = arith.mulf %get3A_423, %get3A_433 : vector<16xf32>
        %mul3A_437 = arith.mulf %mul3A_436, %get3A_12 : vector<16xf32>
        %add3A_438 = arith.addf %mul3A_435, %mul3A_437 : vector<16xf32>
        %add3A_439 = arith.constant 10 : i32
        %add3A_440 = arith.addi %mul3A_104, %add3A_439 : i32
        %slice3A_441 = vector.extract_strided_slice %shift_left3A_117 {offsets = [10], sizes = [1], strides = [1]} : vector<16xi32> to vector<1xi32>
        %squeeze3A_442 = vector.extract %slice3A_441[0] : i32 from vector<1xi32>
        %slice3A_443 = vector.extract_strided_slice %shift_left3A_130 {offsets = [10], sizes = [1], strides = [1]} : vector<16xi32> to vector<1xi32>
        %squeeze3A_444 = vector.extract %slice3A_443[0] : i32 from vector<1xi32>
        %get3A_445 = arith.index_cast %add3A_440 : i32 to index
        %get3A_446 = arith.index_cast %squeeze3A_442 : i32 to index
        %get3A_447 = tpu.vector_load %arg13[%get3A_445, %get3A_446] {strides = array<i32>} : memref<256x128xf32, #tpu.memory_space<vmem>>, vector<1x16xf32>,
        %get3A_448 = vector.shape_cast %get3A_447 : vector<1x16xf32> to vector<16xf32>
        %add3A_449 = arith.constant 16 : i32
        %add3A_450 = arith.addi %squeeze3A_442, %add3A_449 : i32
        %get3A_451 = arith.index_cast %add3A_440 : i32 to index
        %get3A_452 = arith.index_cast %add3A_450 : i32 to index
        %get3A_453 = tpu.vector_load %arg13[%get3A_451, %get3A_452] {strides = array<i32>} : memref<256x128xf32, #tpu.memory_space<vmem>>, vector<1x16xf32>,
        %get3A_454 = vector.shape_cast %get3A_453 : vector<1x16xf32> to vector<16xf32>
        %get3A_455 = arith.index_cast %add3A_440 : i32 to index
        %get3A_456 = arith.index_cast %squeeze3A_444 : i32 to index
        %get3A_457 = tpu.vector_load %arg14[%get3A_455, %get3A_456] {strides = array<i32>} : memref<256x128xf32, #tpu.memory_space<vmem>>, vector<1x16xf32>,
        %get3A_458 = vector.shape_cast %get3A_457 : vector<1x16xf32> to vector<16xf32>
        %add3A_459 = arith.constant 16 : i32
        %add3A_460 = arith.addi %squeeze3A_444, %add3A_459 : i32
        %get3A_461 = arith.index_cast %add3A_440 : i32 to index
        %get3A_462 = arith.index_cast %add3A_460 : i32 to index
        %get3A_463 = tpu.vector_load %arg14[%get3A_461, %get3A_462] {strides = array<i32>} : memref<256x128xf32, #tpu.memory_space<vmem>>, vector<1x16xf32>,
        %get3A_464 = vector.shape_cast %get3A_463 : vector<1x16xf32> to vector<16xf32>
        %mul3A_465 = arith.mulf %get3A_448, %get3A_458 : vector<16xf32>
        %mul3A_466 = arith.mulf %mul3A_465, %get3A_9 : vector<16xf32>
        %mul3A_467 = arith.mulf %get3A_454, %get3A_464 : vector<16xf32>
        %mul3A_468 = arith.mulf %mul3A_467, %get3A_12 : vector<16xf32>
        %add3A_469 = arith.addf %mul3A_466, %mul3A_468 : vector<16xf32>
        %add3A_470 = arith.constant 11 : i32
        %add3A_471 = arith.addi %mul3A_104, %add3A_470 : i32
        %slice3A_472 = vector.extract_strided_slice %shift_left3A_117 {offsets = [11], sizes = [1], strides = [1]} : vector<16xi32> to vector<1xi32>
        %squeeze3A_473 = vector.extract %slice3A_472[0] : i32 from vector<1xi32>
        %slice3A_474 = vector.extract_strided_slice %shift_left3A_130 {offsets = [11], sizes = [1], strides = [1]} : vector<16xi32> to vector<1xi32>
        %squeeze3A_475 = vector.extract %slice3A_474[0] : i32 from vector<1xi32>
        %get3A_476 = arith.index_cast %add3A_471 : i32 to index
        %get3A_477 = arith.index_cast %squeeze3A_473 : i32 to index
        %get3A_478 = tpu.vector_load %arg13[%get3A_476, %get3A_477] {strides = array<i32>} : memref<256x128xf32, #tpu.memory_space<vmem>>, vector<1x16xf32>,
        %get3A_479 = vector.shape_cast %get3A_478 : vector<1x16xf32> to vector<16xf32>
        %add3A_480 = arith.constant 16 : i32
        %add3A_481 = arith.addi %squeeze3A_473, %add3A_480 : i32
        %get3A_482 = arith.index_cast %add3A_471 : i32 to index
        %get3A_483 = arith.index_cast %add3A_481 : i32 to index
        %get3A_484 = tpu.vector_load %arg13[%get3A_482, %get3A_483] {strides = array<i32>} : memref<256x128xf32, #tpu.memory_space<vmem>>, vector<1x16xf32>,
        %get3A_485 = vector.shape_cast %get3A_484 : vector<1x16xf32> to vector<16xf32>
        %get3A_486 = arith.index_cast %add3A_471 : i32 to index
        %get3A_487 = arith.index_cast %squeeze3A_475 : i32 to index
        %get3A_488 = tpu.vector_load %arg14[%get3A_486, %get3A_487] {strides = array<i32>} : memref<256x128xf32, #tpu.memory_space<vmem>>, vector<1x16xf32>,
        %get3A_489 = vector.shape_cast %get3A_488 : vector<1x16xf32> to vector<16xf32>
        %add3A_490 = arith.constant 16 : i32
        %add3A_491 = arith.addi %squeeze3A_475, %add3A_490 : i32
        %get3A_492 = arith.index_cast %add3A_471 : i32 to index
        %get3A_493 = arith.index_cast %add3A_491 : i32 to index
        %get3A_494 = tpu.vector_load %arg14[%get3A_492, %get3A_493] {strides = array<i32>} : memref<256x128xf32, #tpu.memory_space<vmem>>, vector<1x16xf32>,
        %get3A_495 = vector.shape_cast %get3A_494 : vector<1x16xf32> to vector<16xf32>
        %mul3A_496 = arith.mulf %get3A_479, %get3A_489 : vector<16xf32>
        %mul3A_497 = arith.mulf %mul3A_496, %get3A_9 : vector<16xf32>
        %mul3A_498 = arith.mulf %get3A_485, %get3A_495 : vector<16xf32>
        %mul3A_499 = arith.mulf %mul3A_498, %get3A_12 : vector<16xf32>
        %add3A_500 = arith.addf %mul3A_497, %mul3A_499 : vector<16xf32>
        %add3A_501 = arith.constant 12 : i32
        %add3A_502 = arith.addi %mul3A_104, %add3A_501 : i32
        %slice3A_503 = vector.extract_strided_slice %shift_left3A_117 {offsets = [12], sizes = [1], strides = [1]} : vector<16xi32> to vector<1xi32>
        %squeeze3A_504 = vector.extract %slice3A_503[0] : i32 from vector<1xi32>
        %slice3A_505 = vector.extract_strided_slice %shift_left3A_130 {offsets = [12], sizes = [1], strides = [1]} : vector<16xi32> to vector<1xi32>
        %squeeze3A_506 = vector.extract %slice3A_505[0] : i32 from vector<1xi32>
        %get3A_507 = arith.index_cast %add3A_502 : i32 to index
        %get3A_508 = arith.index_cast %squeeze3A_504 : i32 to index
        %get3A_509 = tpu.vector_load %arg13[%get3A_507, %get3A_508] {strides = array<i32>} : memref<256x128xf32, #tpu.memory_space<vmem>>, vector<1x16xf32>,
        %get3A_510 = vector.shape_cast %get3A_509 : vector<1x16xf32> to vector<16xf32>
        %add3A_511 = arith.constant 16 : i32
        %add3A_512 = arith.addi %squeeze3A_504, %add3A_511 : i32
        %get3A_513 = arith.index_cast %add3A_502 : i32 to index
        %get3A_514 = arith.index_cast %add3A_512 : i32 to index
        %get3A_515 = tpu.vector_load %arg13[%get3A_513, %get3A_514] {strides = array<i32>} : memref<256x128xf32, #tpu.memory_space<vmem>>, vector<1x16xf32>,
        %get3A_516 = vector.shape_cast %get3A_515 : vector<1x16xf32> to vector<16xf32>
        %get3A_517 = arith.index_cast %add3A_502 : i32 to index
        %get3A_518 = arith.index_cast %squeeze3A_506 : i32 to index
        %get3A_519 = tpu.vector_load %arg14[%get3A_517, %get3A_518] {strides = array<i32>} : memref<256x128xf32, #tpu.memory_space<vmem>>, vector<1x16xf32>,
        %get3A_520 = vector.shape_cast %get3A_519 : vector<1x16xf32> to vector<16xf32>
        %add3A_521 = arith.constant 16 : i32
        %add3A_522 = arith.addi %squeeze3A_506, %add3A_521 : i32
        %get3A_523 = arith.index_cast %add3A_502 : i32 to index
        %get3A_524 = arith.index_cast %add3A_522 : i32 to index
        %get3A_525 = tpu.vector_load %arg14[%get3A_523, %get3A_524] {strides = array<i32>} : memref<256x128xf32, #tpu.memory_space<vmem>>, vector<1x16xf32>,
        %get3A_526 = vector.shape_cast %get3A_525 : vector<1x16xf32> to vector<16xf32>
        %mul3A_527 = arith.mulf %get3A_510, %get3A_520 : vector<16xf32>
        %mul3A_528 = arith.mulf %mul3A_527, %get3A_9 : vector<16xf32>
        %mul3A_529 = arith.mulf %get3A_516, %get3A_526 : vector<16xf32>
        %mul3A_530 = arith.mulf %mul3A_529, %get3A_12 : vector<16xf32>
        %add3A_531 = arith.addf %mul3A_528, %mul3A_530 : vector<16xf32>
        %add3A_532 = arith.constant 13 : i32
        %add3A_533 = arith.addi %mul3A_104, %add3A_532 : i32
        %slice3A_534 = vector.extract_strided_slice %shift_left3A_117 {offsets = [13], sizes = [1], strides = [1]} : vector<16xi32> to vector<1xi32>
        %squeeze3A_535 = vector.extract %slice3A_534[0] : i32 from vector<1xi32>
        %slice3A_536 = vector.extract_strided_slice %shift_left3A_130 {offsets = [13], sizes = [1], strides = [1]} : vector<16xi32> to vector<1xi32>
        %squeeze3A_537 = vector.extract %slice3A_536[0] : i32 from vector<1xi32>
        %get3A_538 = arith.index_cast %add3A_533 : i32 to index
        %get3A_539 = arith.index_cast %squeeze3A_535 : i32 to index
        %get3A_540 = tpu.vector_load %arg13[%get3A_538, %get3A_539] {strides = array<i32>} : memref<256x128xf32, #tpu.memory_space<vmem>>, vector<1x16xf32>,
        %get3A_541 = vector.shape_cast %get3A_540 : vector<1x16xf32> to vector<16xf32>
        %add3A_542 = arith.constant 16 : i32
        %add3A_543 = arith.addi %squeeze3A_535, %add3A_542 : i32
        %get3A_544 = arith.index_cast %add3A_533 : i32 to index
        %get3A_545 = arith.index_cast %add3A_543 : i32 to index
        %get3A_546 = tpu.vector_load %arg13[%get3A_544, %get3A_545] {strides = array<i32>} : memref<256x128xf32, #tpu.memory_space<vmem>>, vector<1x16xf32>,
        %get3A_547 = vector.shape_cast %get3A_546 : vector<1x16xf32> to vector<16xf32>
        %get3A_548 = arith.index_cast %add3A_533 : i32 to index
        %get3A_549 = arith.index_cast %squeeze3A_537 : i32 to index
        %get3A_550 = tpu.vector_load %arg14[%get3A_548, %get3A_549] {strides = array<i32>} : memref<256x128xf32, #tpu.memory_space<vmem>>, vector<1x16xf32>,
        %get3A_551 = vector.shape_cast %get3A_550 : vector<1x16xf32> to vector<16xf32>
        %add3A_552 = arith.constant 16 : i32
        %add3A_553 = arith.addi %squeeze3A_537, %add3A_552 : i32
        %get3A_554 = arith.index_cast %add3A_533 : i32 to index
        %get3A_555 = arith.index_cast %add3A_553 : i32 to index
        %get3A_556 = tpu.vector_load %arg14[%get3A_554, %get3A_555] {strides = array<i32>} : memref<256x128xf32, #tpu.memory_space<vmem>>, vector<1x16xf32>,
        %get3A_557 = vector.shape_cast %get3A_556 : vector<1x16xf32> to vector<16xf32>
        %mul3A_558 = arith.mulf %get3A_541, %get3A_551 : vector<16xf32>
        %mul3A_559 = arith.mulf %mul3A_558, %get3A_9 : vector<16xf32>
        %mul3A_560 = arith.mulf %get3A_547, %get3A_557 : vector<16xf32>
        %mul3A_561 = arith.mulf %mul3A_560, %get3A_12 : vector<16xf32>
        %add3A_562 = arith.addf %mul3A_559, %mul3A_561 : vector<16xf32>
        %add3A_563 = arith.constant 14 : i32
        %add3A_564 = arith.addi %mul3A_104, %add3A_563 : i32
        %slice3A_565 = vector.extract_strided_slice %shift_left3A_117 {offsets = [14], sizes = [1], strides = [1]} : vector<16xi32> to vector<1xi32>
        %squeeze3A_566 = vector.extract %slice3A_565[0] : i32 from vector<1xi32>
        %slice3A_567 = vector.extract_strided_slice %shift_left3A_130 {offsets = [14], sizes = [1], strides = [1]} : vector<16xi32> to vector<1xi32>
        %squeeze3A_568 = vector.extract %slice3A_567[0] : i32 from vector<1xi32>
        %get3A_569 = arith.index_cast %add3A_564 : i32 to index
        %get3A_570 = arith.index_cast %squeeze3A_566 : i32 to index
        %get3A_571 = tpu.vector_load %arg13[%get3A_569, %get3A_570] {strides = array<i32>} : memref<256x128xf32, #tpu.memory_space<vmem>>, vector<1x16xf32>,
        %get3A_572 = vector.shape_cast %get3A_571 : vector<1x16xf32> to vector<16xf32>
        %add3A_573 = arith.constant 16 : i32
        %add3A_574 = arith.addi %squeeze3A_566, %add3A_573 : i32
        %get3A_575 = arith.index_cast %add3A_564 : i32 to index
        %get3A_576 = arith.index_cast %add3A_574 : i32 to index
        %get3A_577 = tpu.vector_load %arg13[%get3A_575, %get3A_576] {strides = array<i32>} : memref<256x128xf32, #tpu.memory_space<vmem>>, vector<1x16xf32>,
        %get3A_578 = vector.shape_cast %get3A_577 : vector<1x16xf32> to vector<16xf32>
        %get3A_579 = arith.index_cast %add3A_564 : i32 to index
        %get3A_580 = arith.index_cast %squeeze3A_568 : i32 to index
        %get3A_581 = tpu.vector_load %arg14[%get3A_579, %get3A_580] {strides = array<i32>} : memref<256x128xf32, #tpu.memory_space<vmem>>, vector<1x16xf32>,
        %get3A_582 = vector.shape_cast %get3A_581 : vector<1x16xf32> to vector<16xf32>
        %add3A_583 = arith.constant 16 : i32
        %add3A_584 = arith.addi %squeeze3A_568, %add3A_583 : i32
        %get3A_585 = arith.index_cast %add3A_564 : i32 to index
        %get3A_586 = arith.index_cast %add3A_584 : i32 to index
        %get3A_587 = tpu.vector_load %arg14[%get3A_585, %get3A_586] {strides = array<i32>} : memref<256x128xf32, #tpu.memory_space<vmem>>, vector<1x16xf32>,
        %get3A_588 = vector.shape_cast %get3A_587 : vector<1x16xf32> to vector<16xf32>
        %mul3A_589 = arith.mulf %get3A_572, %get3A_582 : vector<16xf32>
        %mul3A_590 = arith.mulf %mul3A_589, %get3A_9 : vector<16xf32>
        %mul3A_591 = arith.mulf %get3A_578, %get3A_588 : vector<16xf32>
        %mul3A_592 = arith.mulf %mul3A_591, %get3A_12 : vector<16xf32>
        %add3A_593 = arith.addf %mul3A_590, %mul3A_592 : vector<16xf32>
        %add3A_594 = arith.constant 15 : i32
        %add3A_595 = arith.addi %mul3A_104, %add3A_594 : i32
        %slice3A_596 = vector.extract_strided_slice %shift_left3A_117 {offsets = [15], sizes = [1], strides = [1]} : vector<16xi32> to vector<1xi32>
        %squeeze3A_597 = vector.extract %slice3A_596[0] : i32 from vector<1xi32>
        %slice3A_598 = vector.extract_strided_slice %shift_left3A_130 {offsets = [15], sizes = [1], strides = [1]} : vector<16xi32> to vector<1xi32>
        %squeeze3A_599 = vector.extract %slice3A_598[0] : i32 from vector<1xi32>
        %get3A_600 = arith.index_cast %add3A_595 : i32 to index
        %get3A_601 = arith.index_cast %squeeze3A_597 : i32 to index
        %get3A_602 = tpu.vector_load %arg13[%get3A_600, %get3A_601] {strides = array<i32>} : memref<256x128xf32, #tpu.memory_space<vmem>>, vector<1x16xf32>,
        %get3A_603 = vector.shape_cast %get3A_602 : vector<1x16xf32> to vector<16xf32>
        %add3A_604 = arith.constant 16 : i32
        %add3A_605 = arith.addi %squeeze3A_597, %add3A_604 : i32
        %get3A_606 = arith.index_cast %add3A_595 : i32 to index
        %get3A_607 = arith.index_cast %add3A_605 : i32 to index
        %get3A_608 = tpu.vector_load %arg13[%get3A_606, %get3A_607] {strides = array<i32>} : memref<256x128xf32, #tpu.memory_space<vmem>>, vector<1x16xf32>,
        %get3A_609 = vector.shape_cast %get3A_608 : vector<1x16xf32> to vector<16xf32>
        %get3A_610 = arith.index_cast %add3A_595 : i32 to index
        %get3A_611 = arith.index_cast %squeeze3A_599 : i32 to index
        %get3A_612 = tpu.vector_load %arg14[%get3A_610, %get3A_611] {strides = array<i32>} : memref<256x128xf32, #tpu.memory_space<vmem>>, vector<1x16xf32>,
        %get3A_613 = vector.shape_cast %get3A_612 : vector<1x16xf32> to vector<16xf32>
        %add3A_614 = arith.constant 16 : i32
        %add3A_615 = arith.addi %squeeze3A_599, %add3A_614 : i32
        %get3A_616 = arith.index_cast %add3A_595 : i32 to index
        %get3A_617 = arith.index_cast %add3A_615 : i32 to index
        %get3A_618 = tpu.vector_load %arg14[%get3A_616, %get3A_617] {strides = array<i32>} : memref<256x128xf32, #tpu.memory_space<vmem>>, vector<1x16xf32>,
        %get3A_619 = vector.shape_cast %get3A_618 : vector<1x16xf32> to vector<16xf32>
        %mul3A_620 = arith.mulf %get3A_603, %get3A_613 : vector<16xf32>
        %mul3A_621 = arith.mulf %mul3A_620, %get3A_9 : vector<16xf32>
        %mul3A_622 = arith.mulf %get3A_609, %get3A_619 : vector<16xf32>
        %mul3A_623 = arith.mulf %mul3A_622, %get3A_12 : vector<16xf32>
        %add3A_624 = arith.addf %mul3A_621, %mul3A_623 : vector<16xf32>
        %select_n3A = arith.select %eq3A_19, %add3A_159, %add3A_190 : vector<16xi1>, vector<16xf32>
        %select_n3A_625 = arith.select %eq3A_19, %add3A_190, %add3A_159 : vector<16xi1>, vector<16xf32>
        %lt3A = arith.constant 0 : i32
        %lt3A_626 = vector.broadcast %lt3A : i32 to vector<16xi32>
        %lt3A_627 = arith.cmpi slt, %xor3A_39, %lt3A_626 : vector<16xi32>
        %add3A_628 = arith.constant 16 : i32
        %add3A_629 = vector.broadcast %add3A_628 : i32 to vector<16xi32>
        %add3A_630 = arith.addi %xor3A_39, %add3A_629 : vector<16xi32>
        %select_n3A_631 = arith.select %lt3A_627, %add3A_630, %xor3A_39 : vector<16xi1>, vector<16xi32>
        %reshape3A = vector.shape_cast %select_n3A_631 : vector<16xi32> to vector<16x1xi32>
        %gather3A = vector.shape_cast %reshape3A : vector<16x1xi32> to vector<16xi32>
        %gather3A_632 = tpu.dynamic_gather %select_n3A_625[%gather3A] in [0] : vector<16xf32>, vector<16xi32> -> vector<16xf32>
        %add3A_633 = arith.addf %select_n3A, %gather3A_632 : vector<16xf32>
        %select_n3A_634 = arith.select %eq3A_19, %add3A_221, %add3A_252 : vector<16xi1>, vector<16xf32>
        %select_n3A_635 = arith.select %eq3A_19, %add3A_252, %add3A_221 : vector<16xi1>, vector<16xf32>
        %lt3A_636 = arith.constant 0 : i32
        %lt3A_637 = vector.broadcast %lt3A_636 : i32 to vector<16xi32>
        %lt3A_638 = arith.cmpi slt, %xor3A_39, %lt3A_637 : vector<16xi32>
        %add3A_639 = arith.constant 16 : i32
        %add3A_640 = vector.broadcast %add3A_639 : i32 to vector<16xi32>
        %add3A_641 = arith.addi %xor3A_39, %add3A_640 : vector<16xi32>
        %select_n3A_642 = arith.select %lt3A_638, %add3A_641, %xor3A_39 : vector<16xi1>, vector<16xi32>
        %reshape3A_643 = vector.shape_cast %select_n3A_642 : vector<16xi32> to vector<16x1xi32>
        %gather3A_644 = vector.shape_cast %reshape3A_643 : vector<16x1xi32> to vector<16xi32>
        %gather3A_645 = tpu.dynamic_gather %select_n3A_635[%gather3A_644] in [0] : vector<16xf32>, vector<16xi32> -> vector<16xf32>
        %add3A_646 = arith.addf %select_n3A_634, %gather3A_645 : vector<16xf32>
        %select_n3A_647 = arith.select %eq3A_19, %add3A_283, %add3A_314 : vector<16xi1>, vector<16xf32>
        %select_n3A_648 = arith.select %eq3A_19, %add3A_314, %add3A_283 : vector<16xi1>, vector<16xf32>
        %lt3A_649 = arith.constant 0 : i32
        %lt3A_650 = vector.broadcast %lt3A_649 : i32 to vector<16xi32>
        %lt3A_651 = arith.cmpi slt, %xor3A_39, %lt3A_650 : vector<16xi32>
        %add3A_652 = arith.constant 16 : i32
        %add3A_653 = vector.broadcast %add3A_652 : i32 to vector<16xi32>
        %add3A_654 = arith.addi %xor3A_39, %add3A_653 : vector<16xi32>
        %select_n3A_655 = arith.select %lt3A_651, %add3A_654, %xor3A_39 : vector<16xi1>, vector<16xi32>
        %reshape3A_656 = vector.shape_cast %select_n3A_655 : vector<16xi32> to vector<16x1xi32>
        %gather3A_657 = vector.shape_cast %reshape3A_656 : vector<16x1xi32> to vector<16xi32>
        %gather3A_658 = tpu.dynamic_gather %select_n3A_648[%gather3A_657] in [0] : vector<16xf32>, vector<16xi32> -> vector<16xf32>
        %add3A_659 = arith.addf %select_n3A_647, %gather3A_658 : vector<16xf32>
        %select_n3A_660 = arith.select %eq3A_19, %add3A_345, %add3A_376 : vector<16xi1>, vector<16xf32>
        %select_n3A_661 = arith.select %eq3A_19, %add3A_376, %add3A_345 : vector<16xi1>, vector<16xf32>
        %lt3A_662 = arith.constant 0 : i32
        %lt3A_663 = vector.broadcast %lt3A_662 : i32 to vector<16xi32>
        %lt3A_664 = arith.cmpi slt, %xor3A_39, %lt3A_663 : vector<16xi32>
        %add3A_665 = arith.constant 16 : i32
        %add3A_666 = vector.broadcast %add3A_665 : i32 to vector<16xi32>
        %add3A_667 = arith.addi %xor3A_39, %add3A_666 : vector<16xi32>
        %select_n3A_668 = arith.select %lt3A_664, %add3A_667, %xor3A_39 : vector<16xi1>, vector<16xi32>
        %reshape3A_669 = vector.shape_cast %select_n3A_668 : vector<16xi32> to vector<16x1xi32>
        %gather3A_670 = vector.shape_cast %reshape3A_669 : vector<16x1xi32> to vector<16xi32>
        %gather3A_671 = tpu.dynamic_gather %select_n3A_661[%gather3A_670] in [0] : vector<16xf32>, vector<16xi32> -> vector<16xf32>
        %add3A_672 = arith.addf %select_n3A_660, %gather3A_671 : vector<16xf32>
        %select_n3A_673 = arith.select %eq3A_19, %add3A_407, %add3A_438 : vector<16xi1>, vector<16xf32>
        %select_n3A_674 = arith.select %eq3A_19, %add3A_438, %add3A_407 : vector<16xi1>, vector<16xf32>
        %lt3A_675 = arith.constant 0 : i32
        %lt3A_676 = vector.broadcast %lt3A_675 : i32 to vector<16xi32>
        %lt3A_677 = arith.cmpi slt, %xor3A_39, %lt3A_676 : vector<16xi32>
        %add3A_678 = arith.constant 16 : i32
        %add3A_679 = vector.broadcast %add3A_678 : i32 to vector<16xi32>
        %add3A_680 = arith.addi %xor3A_39, %add3A_679 : vector<16xi32>
        %select_n3A_681 = arith.select %lt3A_677, %add3A_680, %xor3A_39 : vector<16xi1>, vector<16xi32>
        %reshape3A_682 = vector.shape_cast %select_n3A_681 : vector<16xi32> to vector<16x1xi32>
        %gather3A_683 = vector.shape_cast %reshape3A_682 : vector<16x1xi32> to vector<16xi32>
        %gather3A_684 = tpu.dynamic_gather %select_n3A_674[%gather3A_683] in [0] : vector<16xf32>, vector<16xi32> -> vector<16xf32>
        %add3A_685 = arith.addf %select_n3A_673, %gather3A_684 : vector<16xf32>
        %select_n3A_686 = arith.select %eq3A_19, %add3A_469, %add3A_500 : vector<16xi1>, vector<16xf32>
        %select_n3A_687 = arith.select %eq3A_19, %add3A_500, %add3A_469 : vector<16xi1>, vector<16xf32>
        %lt3A_688 = arith.constant 0 : i32
        %lt3A_689 = vector.broadcast %lt3A_688 : i32 to vector<16xi32>
        %lt3A_690 = arith.cmpi slt, %xor3A_39, %lt3A_689 : vector<16xi32>
        %add3A_691 = arith.constant 16 : i32
        %add3A_692 = vector.broadcast %add3A_691 : i32 to vector<16xi32>
        %add3A_693 = arith.addi %xor3A_39, %add3A_692 : vector<16xi32>
        %select_n3A_694 = arith.select %lt3A_690, %add3A_693, %xor3A_39 : vector<16xi1>, vector<16xi32>
        %reshape3A_695 = vector.shape_cast %select_n3A_694 : vector<16xi32> to vector<16x1xi32>
        %gather3A_696 = vector.shape_cast %reshape3A_695 : vector<16x1xi32> to vector<16xi32>
        %gather3A_697 = tpu.dynamic_gather %select_n3A_687[%gather3A_696] in [0] : vector<16xf32>, vector<16xi32> -> vector<16xf32>
        %add3A_698 = arith.addf %select_n3A_686, %gather3A_697 : vector<16xf32>
        %select_n3A_699 = arith.select %eq3A_19, %add3A_531, %add3A_562 : vector<16xi1>, vector<16xf32>
        %select_n3A_700 = arith.select %eq3A_19, %add3A_562, %add3A_531 : vector<16xi1>, vector<16xf32>
        %lt3A_701 = arith.constant 0 : i32
        %lt3A_702 = vector.broadcast %lt3A_701 : i32 to vector<16xi32>
        %lt3A_703 = arith.cmpi slt, %xor3A_39, %lt3A_702 : vector<16xi32>
        %add3A_704 = arith.constant 16 : i32
        %add3A_705 = vector.broadcast %add3A_704 : i32 to vector<16xi32>
        %add3A_706 = arith.addi %xor3A_39, %add3A_705 : vector<16xi32>
        %select_n3A_707 = arith.select %lt3A_703, %add3A_706, %xor3A_39 : vector<16xi1>, vector<16xi32>
        %reshape3A_708 = vector.shape_cast %select_n3A_707 : vector<16xi32> to vector<16x1xi32>
        %gather3A_709 = vector.shape_cast %reshape3A_708 : vector<16x1xi32> to vector<16xi32>
        %gather3A_710 = tpu.dynamic_gather %select_n3A_700[%gather3A_709] in [0] : vector<16xf32>, vector<16xi32> -> vector<16xf32>
        %add3A_711 = arith.addf %select_n3A_699, %gather3A_710 : vector<16xf32>
        %select_n3A_712 = arith.select %eq3A_19, %add3A_593, %add3A_624 : vector<16xi1>, vector<16xf32>
        %select_n3A_713 = arith.select %eq3A_19, %add3A_624, %add3A_593 : vector<16xi1>, vector<16xf32>
        %lt3A_714 = arith.constant 0 : i32
        %lt3A_715 = vector.broadcast %lt3A_714 : i32 to vector<16xi32>
        %lt3A_716 = arith.cmpi slt, %xor3A_39, %lt3A_715 : vector<16xi32>
        %add3A_717 = arith.constant 16 : i32
        %add3A_718 = vector.broadcast %add3A_717 : i32 to vector<16xi32>
        %add3A_719 = arith.addi %xor3A_39, %add3A_718 : vector<16xi32>
        %select_n3A_720 = arith.select %lt3A_716, %add3A_719, %xor3A_39 : vector<16xi1>, vector<16xi32>
        %reshape3A_721 = vector.shape_cast %select_n3A_720 : vector<16xi32> to vector<16x1xi32>
        %gather3A_722 = vector.shape_cast %reshape3A_721 : vector<16x1xi32> to vector<16xi32>
        %gather3A_723 = tpu.dynamic_gather %select_n3A_713[%gather3A_722] in [0] : vector<16xf32>, vector<16xi32> -> vector<16xf32>
        %add3A_724 = arith.addf %select_n3A_712, %gather3A_723 : vector<16xf32>
        %select_n3A_725 = arith.select %eq3A_25, %add3A_633, %add3A_646 : vector<16xi1>, vector<16xf32>
        %select_n3A_726 = arith.select %eq3A_25, %add3A_646, %add3A_633 : vector<16xi1>, vector<16xf32>
        %lt3A_727 = arith.constant 0 : i32
        %lt3A_728 = vector.broadcast %lt3A_727 : i32 to vector<16xi32>
        %lt3A_729 = arith.cmpi slt, %xor3A_42, %lt3A_728 : vector<16xi32>
        %add3A_730 = arith.constant 16 : i32
        %add3A_731 = vector.broadcast %add3A_730 : i32 to vector<16xi32>
        %add3A_732 = arith.addi %xor3A_42, %add3A_731 : vector<16xi32>
        %select_n3A_733 = arith.select %lt3A_729, %add3A_732, %xor3A_42 : vector<16xi1>, vector<16xi32>
        %reshape3A_734 = vector.shape_cast %select_n3A_733 : vector<16xi32> to vector<16x1xi32>
        %gather3A_735 = vector.shape_cast %reshape3A_734 : vector<16x1xi32> to vector<16xi32>
        %gather3A_736 = tpu.dynamic_gather %select_n3A_726[%gather3A_735] in [0] : vector<16xf32>, vector<16xi32> -> vector<16xf32>
        %add3A_737 = arith.addf %select_n3A_725, %gather3A_736 : vector<16xf32>
        %select_n3A_738 = arith.select %eq3A_25, %add3A_659, %add3A_672 : vector<16xi1>, vector<16xf32>
        %select_n3A_739 = arith.select %eq3A_25, %add3A_672, %add3A_659 : vector<16xi1>, vector<16xf32>
        %lt3A_740 = arith.constant 0 : i32
        %lt3A_741 = vector.broadcast %lt3A_740 : i32 to vector<16xi32>
        %lt3A_742 = arith.cmpi slt, %xor3A_42, %lt3A_741 : vector<16xi32>
        %add3A_743 = arith.constant 16 : i32
        %add3A_744 = vector.broadcast %add3A_743 : i32 to vector<16xi32>
        %add3A_745 = arith.addi %xor3A_42, %add3A_744 : vector<16xi32>
        %select_n3A_746 = arith.select %lt3A_742, %add3A_745, %xor3A_42 : vector<16xi1>, vector<16xi32>
        %reshape3A_747 = vector.shape_cast %select_n3A_746 : vector<16xi32> to vector<16x1xi32>
        %gather3A_748 = vector.shape_cast %reshape3A_747 : vector<16x1xi32> to vector<16xi32>
        %gather3A_749 = tpu.dynamic_gather %select_n3A_739[%gather3A_748] in [0] : vector<16xf32>, vector<16xi32> -> vector<16xf32>
        %add3A_750 = arith.addf %select_n3A_738, %gather3A_749 : vector<16xf32>
        %select_n3A_751 = arith.select %eq3A_25, %add3A_685, %add3A_698 : vector<16xi1>, vector<16xf32>
        %select_n3A_752 = arith.select %eq3A_25, %add3A_698, %add3A_685 : vector<16xi1>, vector<16xf32>
        %lt3A_753 = arith.constant 0 : i32
        %lt3A_754 = vector.broadcast %lt3A_753 : i32 to vector<16xi32>
        %lt3A_755 = arith.cmpi slt, %xor3A_42, %lt3A_754 : vector<16xi32>
        %add3A_756 = arith.constant 16 : i32
        %add3A_757 = vector.broadcast %add3A_756 : i32 to vector<16xi32>
        %add3A_758 = arith.addi %xor3A_42, %add3A_757 : vector<16xi32>
        %select_n3A_759 = arith.select %lt3A_755, %add3A_758, %xor3A_42 : vector<16xi1>, vector<16xi32>
        %reshape3A_760 = vector.shape_cast %select_n3A_759 : vector<16xi32> to vector<16x1xi32>
        %gather3A_761 = vector.shape_cast %reshape3A_760 : vector<16x1xi32> to vector<16xi32>
        %gather3A_762 = tpu.dynamic_gather %select_n3A_752[%gather3A_761] in [0] : vector<16xf32>, vector<16xi32> -> vector<16xf32>
        %add3A_763 = arith.addf %select_n3A_751, %gather3A_762 : vector<16xf32>
        %select_n3A_764 = arith.select %eq3A_25, %add3A_711, %add3A_724 : vector<16xi1>, vector<16xf32>
        %select_n3A_765 = arith.select %eq3A_25, %add3A_724, %add3A_711 : vector<16xi1>, vector<16xf32>
        %lt3A_766 = arith.constant 0 : i32
        %lt3A_767 = vector.broadcast %lt3A_766 : i32 to vector<16xi32>
        %lt3A_768 = arith.cmpi slt, %xor3A_42, %lt3A_767 : vector<16xi32>
        %add3A_769 = arith.constant 16 : i32
        %add3A_770 = vector.broadcast %add3A_769 : i32 to vector<16xi32>
        %add3A_771 = arith.addi %xor3A_42, %add3A_770 : vector<16xi32>
        %select_n3A_772 = arith.select %lt3A_768, %add3A_771, %xor3A_42 : vector<16xi1>, vector<16xi32>
        %reshape3A_773 = vector.shape_cast %select_n3A_772 : vector<16xi32> to vector<16x1xi32>
        %gather3A_774 = vector.shape_cast %reshape3A_773 : vector<16x1xi32> to vector<16xi32>
        %gather3A_775 = tpu.dynamic_gather %select_n3A_765[%gather3A_774] in [0] : vector<16xf32>, vector<16xi32> -> vector<16xf32>
        %add3A_776 = arith.addf %select_n3A_764, %gather3A_775 : vector<16xf32>
        %select_n3A_777 = arith.select %eq3A_31, %add3A_737, %add3A_750 : vector<16xi1>, vector<16xf32>
        %select_n3A_778 = arith.select %eq3A_31, %add3A_750, %add3A_737 : vector<16xi1>, vector<16xf32>
        %lt3A_779 = arith.constant 0 : i32
        %lt3A_780 = vector.broadcast %lt3A_779 : i32 to vector<16xi32>
        %lt3A_781 = arith.cmpi slt, %xor3A_45, %lt3A_780 : vector<16xi32>
        %add3A_782 = arith.constant 16 : i32
        %add3A_783 = vector.broadcast %add3A_782 : i32 to vector<16xi32>
        %add3A_784 = arith.addi %xor3A_45, %add3A_783 : vector<16xi32>
        %select_n3A_785 = arith.select %lt3A_781, %add3A_784, %xor3A_45 : vector<16xi1>, vector<16xi32>
        %reshape3A_786 = vector.shape_cast %select_n3A_785 : vector<16xi32> to vector<16x1xi32>
        %gather3A_787 = vector.shape_cast %reshape3A_786 : vector<16x1xi32> to vector<16xi32>
        %gather3A_788 = tpu.dynamic_gather %select_n3A_778[%gather3A_787] in [0] : vector<16xf32>, vector<16xi32> -> vector<16xf32>
        %add3A_789 = arith.addf %select_n3A_777, %gather3A_788 : vector<16xf32>
        %select_n3A_790 = arith.select %eq3A_31, %add3A_763, %add3A_776 : vector<16xi1>, vector<16xf32>
        %select_n3A_791 = arith.select %eq3A_31, %add3A_776, %add3A_763 : vector<16xi1>, vector<16xf32>
        %lt3A_792 = arith.constant 0 : i32
        %lt3A_793 = vector.broadcast %lt3A_792 : i32 to vector<16xi32>
        %lt3A_794 = arith.cmpi slt, %xor3A_45, %lt3A_793 : vector<16xi32>
        %add3A_795 = arith.constant 16 : i32
        %add3A_796 = vector.broadcast %add3A_795 : i32 to vector<16xi32>
        %add3A_797 = arith.addi %xor3A_45, %add3A_796 : vector<16xi32>
        %select_n3A_798 = arith.select %lt3A_794, %add3A_797, %xor3A_45 : vector<16xi1>, vector<16xi32>
        %reshape3A_799 = vector.shape_cast %select_n3A_798 : vector<16xi32> to vector<16x1xi32>
        %gather3A_800 = vector.shape_cast %reshape3A_799 : vector<16x1xi32> to vector<16xi32>
        %gather3A_801 = tpu.dynamic_gather %select_n3A_791[%gather3A_800] in [0] : vector<16xf32>, vector<16xi32> -> vector<16xf32>
        %add3A_802 = arith.addf %select_n3A_790, %gather3A_801 : vector<16xf32>
        %select_n3A_803 = arith.select %eq3A_37, %add3A_789, %add3A_802 : vector<16xi1>, vector<16xf32>
        %select_n3A_804 = arith.select %eq3A_37, %add3A_802, %add3A_789 : vector<16xi1>, vector<16xf32>
        %lt3A_805 = arith.constant 0 : i32
        %lt3A_806 = vector.broadcast %lt3A_805 : i32 to vector<16xi32>
        %lt3A_807 = arith.cmpi slt, %xor3A_48, %lt3A_806 : vector<16xi32>
        %add3A_808 = arith.constant 16 : i32
        %add3A_809 = vector.broadcast %add3A_808 : i32 to vector<16xi32>
        %add3A_810 = arith.addi %xor3A_48, %add3A_809 : vector<16xi32>
        %select_n3A_811 = arith.select %lt3A_807, %add3A_810, %xor3A_48 : vector<16xi1>, vector<16xi32>
        %reshape3A_812 = vector.shape_cast %select_n3A_811 : vector<16xi32> to vector<16x1xi32>
        %gather3A_813 = vector.shape_cast %reshape3A_812 : vector<16x1xi32> to vector<16xi32>
        %gather3A_814 = tpu.dynamic_gather %select_n3A_804[%gather3A_813] in [0] : vector<16xf32>, vector<16xi32> -> vector<16xf32>
        %add3A_815 = arith.addf %select_n3A_803, %gather3A_814 : vector<16xf32>
        %lt3A_816 = arith.constant 0 : i32
        %lt3A_817 = vector.broadcast %lt3A_816 : i32 to vector<16xi32>
        %lt3A_818 = arith.cmpi slt, %or3A_72, %lt3A_817 : vector<16xi32>
        %add3A_819 = arith.constant 16 : i32
        %add3A_820 = vector.broadcast %add3A_819 : i32 to vector<16xi32>
        %add3A_821 = arith.addi %or3A_72, %add3A_820 : vector<16xi32>
        %select_n3A_822 = arith.select %lt3A_818, %add3A_821, %or3A_72 : vector<16xi1>, vector<16xi32>
        %reshape3A_823 = vector.shape_cast %select_n3A_822 : vector<16xi32> to vector<16x1xi32>
        %gather3A_824 = vector.shape_cast %reshape3A_823 : vector<16x1xi32> to vector<16xi32>
        %gather3A_825 = tpu.dynamic_gather %add3A_815[%gather3A_824] in [0] : vector<16xf32>, vector<16xi32> -> vector<16xf32>
        %add3A_826 = arith.addf %gather3A_825, %get3A_15 : vector<16xf32>
        %neg3A = arith.constant 0.000000e+00 : f32
        %neg3A_827 = vector.broadcast %neg3A : f32 to vector<16xf32>
        %neg3A_828 = arith.subf %neg3A_827, %add3A_826 : vector<16xf32>
        %exp3A = math.exp %neg3A_828 : vector<16xf32>
        %add3A_829 = arith.constant 1.000000e+00 : f32
        %add3A_830 = vector.broadcast %add3A_829 : f32 to vector<16xf32>
        %add3A_831 = arith.addf %add3A_830, %exp3A : vector<16xf32>
        %div3A = arith.constant 1.000000e+00 : f32
        %div3A_832 = vector.broadcast %div3A : f32 to vector<16xf32>
        %div3A_833 = arith.divf %div3A_832, %add3A_831 : vector<16xf32>
        %add3A_834 = arith.addi %mul3A_81, %mul3A_104 : i32
        %swap3A = arith.index_cast %add3A_834 : i32 to index
        %swap3A_835 = tpu.vector_load %arg15[%swap3A] {strides = array<i32>} : memref<512xf32, #tpu.memory_space<vmem>>, vector<16xf32>,
        %swap3A_836 = vector.shape_cast %swap3A_835 : vector<16xf32> to vector<16xf32>
        %swap3A_837 = vector.shape_cast %div3A_833 : vector<16xf32> to vector<16xf32>
        tpu.vector_store %arg15[%swap3A], %swap3A_837 {strides = array<i32>} : memref<512xf32, #tpu.memory_space<vmem>>, vector<16xf32>,
      }
      %scan3A_101 = arith.constant 16 : i32
    }
    %scan3A_78 = arith.constant 2 : i32
    "tpu.region"() ({
      %run_scoped3A = tpu.sem_alloc : memref<!tpu.dma_semaphore, #tpu.memory_space<semaphore_mem>>
      %dma_start3A = tpu.memref_slice %arg8[%mul3A_2] : memref<16384xf32, #tpu.memory_space<hbm>> -> memref<512xf32, #tpu.memory_space<hbm>>
      %dma_start3A_79 = tpu.memref_slice %arg8[%mul3A_2] : memref<16384xf32, #tpu.memory_space<hbm>> -> memref<512xf32, #tpu.memory_space<hbm>>
      tpu.enqueue_dma source(%arg15 : memref<512xf32, #tpu.memory_space<vmem>>) target(%dma_start3A_79 : memref<512xf32, #tpu.memory_space<hbm>>) target_semaphore(%run_scoped3A : memref<!tpu.dma_semaphore, #tpu.memory_space<semaphore_mem>>)
      %dma_wait3A = tpu.memref_slice %arg8[%mul3A_2] : memref<16384xf32, #tpu.memory_space<hbm>> -> memref<512xf32, #tpu.memory_space<hbm>>
      %dma_wait3A_80 = tpu.memref_slice %arg8[%mul3A_2] : memref<16384xf32, #tpu.memory_space<hbm>> -> memref<512xf32, #tpu.memory_space<hbm>>
      tpu.wait_dma2 semaphore(%run_scoped3A : memref<!tpu.dma_semaphore, #tpu.memory_space<semaphore_mem>>) src(%arg15 : memref<512xf32, #tpu.memory_space<vmem>>) dst(%dma_wait3A_80 : memref<512xf32, #tpu.memory_space<hbm>>)
      tpu.yield
    }) : () -> ()
    return
  }
}

module attributes {stable_mosaic.version = 14 : i64} {
  func.func @_regroup_body(%arg0: i32, %arg1: memref<32x65536xf32, #tpu.memory_space<vmem>>, %arg2: memref<16384x128xf32, #tpu.memory_space<vmem>>) attributes {dimension_semantics = [#tpu.dimension_semantics<parallel>], iteration_bounds = array<i64: 16>, scalar_prefetch = 0 : i64, scratch_operands = 0 : i64, tpu.core_type = #tpu.core_type<tc>, window_params = [{transform_indices = @transform_0, window_bounds = array<i64: 32, 65536>}, {transform_indices = @transform_1, window_bounds = array<i64: 16384, 128>}]} {
    %get3A = arith.constant 0 : index
    %get3A_0 = arith.constant 0 : index
    %get3A_1 = vector.load %arg1[%get3A, %get3A_0] : memref<32x65536xf32, #tpu.memory_space<vmem>>, vector<32x65536xf32>
    %slice3A = vector.extract_strided_slice %get3A_1 {offsets = [0, 0], sizes = [32, 16384], strides = [1, 1]} : vector<32x65536xf32> to vector<32x16384xf32>
    %slice3A_2 = vector.extract_strided_slice %get3A_1 {offsets = [0, 16384], sizes = [32, 16384], strides = [1, 1]} : vector<32x65536xf32> to vector<32x16384xf32>
    %slice3A_3 = vector.extract_strided_slice %get3A_1 {offsets = [0, 32768], sizes = [32, 16384], strides = [1, 1]} : vector<32x65536xf32> to vector<32x16384xf32>
    %slice3A_4 = vector.extract_strided_slice %get3A_1 {offsets = [0, 49152], sizes = [32, 16384], strides = [1, 1]} : vector<32x65536xf32> to vector<32x16384xf32>
    %concatenate3A = tpu.concatenate %slice3A, %slice3A_2, %slice3A_3, %slice3A_4 in 0 : vector<32x16384xf32>, vector<32x16384xf32>, vector<32x16384xf32>, vector<32x16384xf32> -> vector<128x16384xf32>
    %transpose3A = tpu.transpose %concatenate3A, [1, 0] : vector<128x16384xf32> -> vector<16384x128xf32>
    %swap3A = arith.constant 0 : index
    %swap3A_5 = arith.constant 0 : index
    %swap3A_6 = vector.load %arg2[%swap3A, %swap3A_5] : memref<16384x128xf32, #tpu.memory_space<vmem>>, vector<16384x128xf32>
    tpu.vector_store %arg2[%swap3A, %swap3A_5], %transpose3A {strides = array<i32>} : memref<16384x128xf32, #tpu.memory_space<vmem>>, vector<16384x128xf32>,
    return
  }
  func.func @transform_0(%arg0: i32) -> (i32, i32) {
    %c0_i32 = arith.constant 0 : i32
    %c0_i32_0 = arith.constant 0 : i32
    return %c0_i32, %arg0 : i32, i32
  }
  func.func @transform_1(%arg0: i32) -> (i32, i32) {
    %c0_i32 = arith.constant 0 : i32
    %c0_i32_0 = arith.constant 0 : i32
    return %arg0, %c0_i32 : i32, i32
  }
}

</mosaic_0001>

<sc_bundles>
// kernel: kernel.5.cloned.1.call-start
scs
__scs_entry_jumppad:
0x0: {  	(pc) =	sbr.rel $0x88, $3  }
0x1: {  	(tag) =	ssettag $0x0;
	lr =	simm.s32 $0x1  }
0x2: {  	[smem:$0x3F9B] =	sst lr;
	_ =	strace $0xD0000000  }
0x3: {  	_ = 	snop  }
0x4: {  	_ = 	snop  }
0x5: {  	_ = 	snop  }
0x6: {  	_ = 	snop  }
0x7: {  	_ = 	snop  }
__scs_overlays_trampoline_lowered:
0x8: {  	[smem:$0x3FAA] =	sst s0  }
0x9: {  	[smem:$0x3FAB] =	sst s1  }
0xa: {  	[smem:$0x3FAC] =	sst s2  }
0xb: {  	[smem:$0x3FAD] =	sst s3  }
0xc: {  	[smem:$0x3FAE] =	sst s4  }
0xd: {  	[smem:$0x3FAF] =	sst s5  }
0xe: {  	[smem:$0x3FB0] =	sst s6  }
0xf: {  	[smem:$0x3FB1] =	sst s7  }
0x10: {  	[smem:$0x3FB2] =	sst s8  }
0x11: {  	[smem:$0x3FB3] =	sst s9;
	s0 =	simm.s32 @!p0 $0x0  }
0x12: {  	s1 =	sld [smem:$0x3F99];
	s0 =	simm.s32 @p0 $0x1  }
0x13: {  	[smem:$0x3FB4] =	sst s0;
	s0 =	simm.s32 @!p1 $0x0  }
0x14: {  	s2 =	sld [smem:$0x3F98];
	s0 =	simm.s32 @p1 $0x1  }
0x15: {  	[smem:$0x3FB5] =	sst s0;
	s0 =	simm.s32 @!p2 $0x0  }
0x16: {  	s3 =	sld [smem:$0x3FDB];
	s0 =	simm.s32 @p2 $0x1  }
0x17: {  	s4 =	simm.s32 $0x1BF5;
	[smem:$0x3FB7] =	sst s0  }
0x18: {  	s0 =	sld [smem:$0x3F9A];
	_ =	swait.ge [sflag:s4], $0x0  }
0x19: {  	s7 =	sld [smem:$0x3F9B]  }
0x1a: {  	s8 =	sadd.s32 $0xFFFFE003, lr  }
0x1b: {  	s9 =	sadd.s32 $0xFFFFFEF7, lr;
	s5 =	simm.s32 $0xFFFFFFFF;
	p2 =	slt.u32 s8, $0xFFFFF086  }
0x1c: {  	p1 =	slt.u32 s9, $0xF7A;
	s5 =	simm.s32 @!p2 $0x0  }
0x1d: {  	s5 =	simm.s32 @p1 $0x1;
	p0 =	seq.s32 s7, s2  }
0x1e: {  	s7 =	smul.u32 @!p0 $0xF7A, s2;
	p2 =	seq.s32 @!p0 s5, $0x0  }
0x1f: {  	s9 =	smul.u32 $0xF7A, s1;
	s8 =	simm.s32 @!p0 $0x1BF5;
	p2 =	por !p2, p0  }
0x20: {  	[sflag:s8] =	ssyncset.s32 @!p0 $0xFFFFF086;
	s6 =	sadd.s32 @!p0 s3, s7;
	s7 =	simm.s32 @!p0 $0x108  }
0x21: {  	s3 =	sadd.s32 s3, s9;
	s6 =	sadd.s32 @!p0 $0x88, s6;
	s7 =	simm.s32 @p2 $0x1082  }
0x22: {  	[simem:s7], [sflag:s8] =	dma.local @!p0 [hbm:s6], $0xF7A  }
0x23: {  	s9 =	sor.u32 $0xD0000000, s2;
	s6 =	simm.s32 $0x108;
	_ =	swait.ge @!p0 [sflag:s8], $0x0  }
0x24: {  	s3 =	sadd.s32 $0x88, s3;
	s6 =	simm.s32 @!p1 $0x1082;
	[sflag:s4] =	ssyncset.s32 $0xFFFFF086  }
0x25: {  	[simem:s6], [sflag:s4] =	dma.local [hbm:s3], $0xF7A  }
0x26: {  	[smem:$0x3F9B] =	sst s1;
	(tag) =	ssettag s2;
	_ =	strace s9  }
0x27: {  	s1 =	sld [smem:$0x3FAB]  }
0x28: {  	s2 =	sld [smem:$0x3FAC]  }
0x29: {  	s4 =	sld [smem:$0x3FAE]  }
0x2a: {  	p0 =	seq.s32 s5, $0x0;
	s5 =	sld [smem:$0x3FAF]  }
0x2b: {  	s6 =	sld [smem:$0x3FB0]  }
0x2c: {  	s7 =	sld [smem:$0x3FB1]  }
0x2d: {  	s3 =	simm.s32 $0x108;
	s8 =	sld [smem:$0x3FB2]  }
0x2e: {  	s3 =	simm.s32 @!p0 $0x1082;
	s9 =	sld [smem:$0x3FB3]  }
0x2f: {  	lr =	sadd.s32 s0, s3;
	s0 =	sld [smem:$0x3FAA]  }
0x30: {  	s3 =	sld [smem:$0x3FAD]  }
0x31: {  	[smem:$0x3FB6] =	sst s10  }
0x32: {  	s10 =	sld [smem:$0x3FB4];
	_ =	sdelay $0x3  }
0x33: {  	p0 =	seq.s32 s10, $0x1;
	s10 =	sld [smem:$0x3FB6];
	_ =	sdelay $0x3  }
0x34: {  	[smem:$0x3FB6] =	sst s10  }
0x35: {  	s10 =	sld [smem:$0x3FB5];
	_ =	sdelay $0x3  }
0x36: {  	p1 =	seq.s32 s10, $0x1;
	s10 =	sld [smem:$0x3FB6];
	_ =	sdelay $0x3  }
0x37: {  	[smem:$0x3FB6] =	sst s10  }
0x38: {  	s10 =	sld [smem:$0x3FB7]  }
0x39: {  	_ = 	snop;
	(pc) =	sbr.ind lr, $3  }
0x3a: {  	_ = 	snop  }
0x3b: {  	_ = 	snop  }
0x3c: {  	p2 =	seq.s32 s10, $0x1;
	s10 =	sld [smem:$0x3FB6]  }
0x3d: {  	_ =	shalt  }
0x3e: {  	_ =	shalt  }
0x3f: {  	_ =	shalt  }
0x40: {  	_ =	shalt  }
0x41: {  	_ =	shalt  }
0x42: {  	_ =	shalt  }
0x43: {  	_ =	shalt  }
0x44: {  	_ =	shalt  }
0x45: {  	_ =	shalt  }
0x46: {  	_ =	shalt  }
0x47: {  	_ =	shalt  }
0x48: {  	_ =	shalt  }
0x49: {  	_ =	shalt  }
0x4a: {  	_ =	shalt  }
0x4b: {  	_ =	shalt  }
0x4c: {  	_ =	shalt  }
0x4d: {  	_ =	shalt  }
0x4e: {  	_ =	shalt  }
0x4f: {  	_ =	shalt  }
0x50: {  	_ =	shalt  }
0x51: {  	_ =	shalt  }
0x52: {  	_ =	shalt  }
0x53: {  	_ =	shalt  }
0x54: {  	_ =	shalt  }
0x55: {  	_ =	shalt  }
0x56: {  	_ =	shalt  }
0x57: {  	_ =	shalt  }
0x58: {  	_ =	shalt  }
0x59: {  	_ =	shalt  }
0x5a: {  	_ =	shalt  }
0x5b: {  	_ =	shalt  }
0x5c: {  	_ =	shalt  }
0x5d: {  	_ =	shalt  }
0x5e: {  	_ =	shalt  }
0x5f: {  	_ =	shalt  }
0x60: {  	_ =	shalt  }
0x61: {  	_ =	shalt  }
0x62: {  	_ =	shalt  }
0x63: {  	_ =	shalt  }
0x64: {  	_ =	shalt  }
0x65: {  	_ =	shalt  }
0x66: {  	_ =	shalt  }
0x67: {  	_ =	shalt  }
0x68: {  	_ =	shalt  }
0x69: {  	_ =	shalt  }
0x6a: {  	_ =	shalt  }
0x6b: {  	_ =	shalt  }
0x6c: {  	_ =	shalt  }
0x6d: {  	_ =	shalt  }
0x6e: {  	_ =	shalt  }
0x6f: {  	_ =	shalt  }
0x70: {  	_ =	shalt  }
0x71: {  	_ =	shalt  }
0x72: {  	_ =	shalt  }
0x73: {  	_ =	shalt  }
0x74: {  	_ =	shalt  }
0x75: {  	_ =	shalt  }
0x76: {  	_ =	shalt  }
0x77: {  	_ =	shalt  }
0x78: {  	_ =	shalt  }
0x79: {  	_ =	shalt  }
0x7a: {  	_ =	shalt  }
0x7b: {  	_ =	shalt  }
0x7c: {  	_ =	shalt  }
0x7d: {  	_ =	shalt  }
0x7e: {  	_ =	shalt  }
0x7f: {  	_ =	shalt  }
0x80: {  	_ =	shalt  }
0x81: {  	_ =	shalt  }
0x82: {  	_ =	shalt  }
0x83: {  	_ =	shalt  }
0x84: {  	_ =	shalt  }
0x85: {  	_ =	shalt  }
0x86: {  	_ =	shalt  }
0x87: {  	_ =	shalt  }
.Lfunc_end0:
.L_simem_size_0:
called_computation_lowered:
.L_overlay_start_0:
0x88: {  	s2 =	sld [smem:$0x3FD9]  }
0x89: {  	s3 =	sld [smem:$0x3FFE];
	_ =	sdelay $0x1  }
0x8a: {  	s1 =	srdreg.scid  }
0x8b: {  	s0 =	sand.u32 $0x1, s1  }
0x8c: {  	s17 =	sshll.u32 s0, $0xA;
	s2 =	sadd.s32 s3, s2  }
0x8d: {  	s2 =	sadd.s32 s2, s17  }
0x8e: {  	[smem:$0x3FC2] =	sst s2  }
0x8f: {  	_ = 	snop  }
0x90: {  	s2 =	sld [smem:$0x3FC9]  }
0x91: {  	s18 =	sld [smem:$0x3FC8]  }
0x92: {  	s4 =	sld [smem:$0x3FC5]  }
0x93: {  	s5 =	sld [smem:$0x3FD0];
	(tm) =	ssettm $0x1  }
0x94: {  	s6 =	sld [smem:$0x3FFB];
	_ =	sdelay $0x3  }
0x95: {  	_ =	strace s6  }
0x96: {  	s6 =	sld [smem:$0x3FFC];
	_ =	sdelay $0x3  }
0x97: {  	_ =	strace s6  }
0x98: {  	s6 =	sld [smem:$0x3FFD];
	_ =	sdelay $0x3  }
0x99: {  	_ =	strace s6  }
0x9a: {  	_ =	strace $0x8FFFFFFF  }
0x9b: {  	s19 =	sld [smem:$0x3FDB];
	_ =	sdelay $0x1  }
0x9c: {  	s7 =	simm.s32 $_scs_section_size  }
0x9d: {  	s8 =	simm.s32 $_size__tile_overlayer_lowered;
	s9 =	simm.s32 $_tile_overlayer_lowered  }
0x9e: {  	s22 =	simm.s32 $0x1BFF;
	s21 =	sshll.u32 s9, $0x1;
	s6 =	sadd.s32 s7, s19  }
0x9f: {  	s10 =	simm.s32 $0x0;
	s20 =	sshll.u32 s8, $0x1;
	s8 =	sadd.s32 s21, s6  }
0xa0: {  	[timem:s10], [sflag:s22] =	dma.local [hbm:s8], s20  }
0xa1: {  	_ =	swait.ge [sflag:s22], s20  }
0xa2: {  	s7 =	ssub.s32 $0x0, s20;
	[sflag:s22] =	ssyncset.done $0x0  }
0xa3: {  	[sflag:s22] =	ssyncadd.s32 s7;
	_ =	sdelay $0x1  }
0xa4: {  	s23 =	simm.s32 $0x1B8B  }
0xa5: {  	_ =	swait.ge [sflag:s23], $0x1  }
0xa6: {  	[sflag:s23] =	ssyncset.done $0x0  }
0xa7: {  	s25 =	simm.s32 $0x1B8E;
	s24 =	sld [smem:$0x3FFE];
	[sflag:s23] =	ssyncadd.s32 $0xFFFFFFFF  }
0xa8: {  	s26 =	simm.s32 $execute0_lowered;
	[smem:$0x3FD2] =	sst s25  }
0xa9: {  	s8 =	sshll.u32 s26, $0x1;
	_ =	strace $0x80000046;
	[dreg:$0x1] =	wrdreg $0xFFFFFFFF  }
0xaa: {  	s28 =	simm.s32 $_size_execute0_lowered;
	s6 =	sadd.s32 s6, s8;
	[dreg:$0x0] =	wrdreg $0x0  }
0xab: {  	s8 =	sshll.u32 s28, $0x1;
	[dreg:$0x2] =	wrdreg s6  }
0xac: {  	[dreg:$0x3] =	wrdreg s8  }
0xad: {  	[dreg:$0x4] =	wrdreg $0xC0  }
0xae: {  	_ =	task [dreg:s10], $0x5FFFF  }
0xaf: {  	[dreg:$0x1] =	wrdreg $0xFFFFFFFF  }
0xb0: {  	[dreg:$0x0] =	wrdreg $0x60  }
0xb1: {  	[dreg:$0x2] =	wrdreg s2  }
0xb2: {  	[dreg:$0x3] =	wrdreg s18  }
0xb3: {  	[dreg:$0x4] =	wrdreg s24  }
0xb4: {  	[dreg:$0x5] =	wrdreg s4  }
0xb5: {  	[dreg:$0x6] =	wrdreg s5  }
0xb6: {  	[dreg:$0x7] =	wrdreg $0x9  }
0xb7: {  	_ =	task.clear_ibuf [dreg:s10], $0x8FFFF;
	_ =	strace $0x90000046  }
0xb8: {  	s29 =	simm.s32 $0x9;
	_ =	strace $0x80000048  }
0xb9: {  	_ =	swait.ge [sflag:s29], $0x1  }
0xba: {  	[sflag:s29] =	ssyncadd.s32 $0xFFFFFFFF  }
0xbb: {  	_ =	strace $0x90000048  }
0xbc: {  	_ =	sfence  }
0xbd: {  	s30 =	sld [smem:$0x0];
	_ =	sdelay $0x2  }
0xbe: {  	s31 =	sshll.u32 s1, $0xD;
	s1 =	sshrl.u32 s1, $0x2  }
0xbf: {  	s3 =	sand.u32 $0x4000, s31;
	s1 =	sadd.s32 s1, s30  }
0xc0: {  	s0 =	sor.u32 s3, s0;
	s1 =	sshll.u32 s1, $0x11  }
0xc1: {  	s0 =	sor.u32 s1, s0  }
0xc2: {  	s0 =	sadd.s32 $0x8F2B, s0  }
0xc3: {  	[sflag:s0] =	ssyncadd.remote.s32 $0x1  }
0xc4: {  	_ =	sfence.sel $0xFFFF  }
0xc5: {  	[dreg:$0x0] =	wrdreg $0xFFFFFFFF;
	(pc) =	sbr.abs _section_cstart, $3  }
0xc6: {  	[dreg:$0x1] =	wrdreg $0xFFFFFFFF  }
0xc7: {  	_ =	task.clear_ibuf [dreg:s10], $0x2FFFF;
	_ =	strace $0x9FFFFFFF  }
0xc8: {  	(tm) =	ssettm $0x7FFFFFFF  }
0xc9: {  	_ =	shalt  }
tec
execute0_lowered:
.L_overlay_start_1:
0x0: {  	(tag) =	ssettag $0x1  }
0x1: {  	v0 =	vimm.s32 $0xFEDCBA98  }
0x2: {  	v1 =	vimm.s32 $0x76543210;
	v2 =	vimm.s32 $0xBA98FEDC;
	v3 =	vimm.s32 $0x32107654  }
0x3: {  	vm0 =	vcmask $0x2F20;
	vm1 =	vcmask $0xF00;
	vm2 =	vcmask $0x700  }
0x4: {  	vm3 =	vcmask $0x300;
	v4 =	vimm.s32 $0xEFCDAB89;
	v0 =	vunpack.c.l.s4.s8 v0  }
0x5: {  	v1 =	vunpack.c.l.s4.s8 v1;
	v2 =	vunpack.c.l.s4.s8 v2;
	v3 =	vunpack.c.l.s4.s8 v3  }
0x6: {  	vm0 =	vmor vm1, vm0;
	vm1 =	vcmask $0x1710;
	v0 =	vunpack.c.0.s8.s32 v0  }
0x7: {  	vm1 =	vmor vm2, vm1;
	vm2 =	vcmask $0xB08;
	v1 =	vunpack.c.0.s8.s32 v1  }
0x8: {  	s7 =	rddreg [dreg:$0x0];
	vm2 =	vmor vm3, vm2;
	vm3 =	vcmask $0x1310;
	v0 =	vand.u32 $0xF, v0  }
0x9: {  	s8 =	rddreg [dreg:$0x1];
	v0 =	vcombine.low v0, v1;
	v1 =	vunpack.c.0.s8.s32 v2;
	v2 =	vunpack.c.0.s8.s32 v3  }
0xa: {  	s6 =	rddreg [dreg:$0x2];
	v5 =	vimm.s32 $0x67452301;
	v4 =	vunpack.c.l.s4.s8 v4;
	vm2 =	vmor vm2, vm3  }
0xb: {  	s0 =	rddreg [dreg:$0x3];
	v3 =	vimm.s32 $0x54761032;
	v2 =	vcombine.low v2, v1;
	v1 =	vimm.s32 $0xDCFE98BA  }
0xc: {  	s9 =	rddreg [dreg:$0x4];
	vm3 =	vcmask $0x1B18;
	v3 =	vunpack.c.l.s4.s8 v3;
	v1 =	vunpack.c.l.s4.s8 v1  }
0xd: {  	s1 =	rddreg [dreg:$0x5];
	s2 =	simm.s32 $0x0;
	s10 =	srdreg.scid;
	v5 =	vunpack.c.l.s4.s8 v5;
	v4 =	vunpack.c.0.s8.s32 v4;
	vm2 =	vmor vm2, vm3  }
0xe: {  	s4 =	stileid.u32;
	s14 =	simm.s32 $0x200;
	s15 =	simm.s32 $0x100;
	vm3 =	vcmask $0x2320;
	v3 =	vunpack.c.0.s8.s32 v3;
	v1 =	vunpack.c.0.s8.s32 v1  }
0xf: {  	s16 =	simm.s32 $0x800;
	s17 =	simm.s32 $0x8800;
	s18 =	simm.s32 $0x1;
	v5 =	vunpack.c.0.s8.s32 v5;
	vm2 =	vmor vm2, vm3;
	vm3 =	vcmask $0x2B28  }
0x10: {  	vm4 =	vcmask $0x2720;
	s19 =	simm.s32 $0x10800;
	s20 =	simm.s32 $0x0;
	[smem:$0x7FF] =	sst s2;
	vm2 =	vmor vm2, vm3;
	v3 =	vcombine.low v3, v1  }
0x11: {  	s3 =	sadd.s32 $0x400, s6;
	s5 =	sadd.s32 $0x400400, s6;
	s10 =	sand.u32 $0x1, s10;
	v1 =	vcombine.low v5, v4;
	v4 =	vimm.s32 $0xF7B3D591;
	v5 =	vimm.s32 $0xE6A2C480  }
0x12: {  	s12 =	sshll.u32 s4, $0x7;
	s6 =	sadd.s32 $0x800400, s6;
	s11 =	ssub.s32 $0x2, s10;
	vm3 =	vcmask $0x3330;
	v4 =	vunpack.c.l.s4.s8 v4;
	v5 =	vunpack.c.l.s4.s8 v5  }
0x13: {  	_ =	strace $0x80000047;
	s10 =	sshll.u32 s10, $0x6;
	s13 =	sshrl.u32 s11, $0x1;
	vm1 =	vmor vm1, vm4;
	vm4 =	vcmask $0x3730;
	vm2 =	vmor vm2, vm3  }
0x14: {  	s10 =	sor.u32 s10, s12;
	s12 =	simm.s32 $0x2;
	s11 =	ssub.s32 s11, s13;
	vm3 =	vcmask $0x3B38;
	v4 =	vunpack.c.0.s8.s32 v4;
	v5 =	vunpack.c.0.s8.s32 v5  }
0x15: {  	s7 =	sadd.s32 s7, s10;
	s8 =	sadd.s32 s8, s10;
	s9 =	sadd.s32 s9, s10;
	vm1 =	vmor vm1, vm4;
	vm2 =	vmor vm2, vm3;
	vm3 =	vmmov $0xff  }
0x16: {  	s13 =	simm.s32 $0x10A80;
	s10 =	smax.u32 s11, $0x1;
	s11 =	simm.s32 $0x10A00;
	v2 =	vand.u32 $0xF, v2;
	v3 =	vand.u32 $0xF, v3;
	v4 =	vcombine.low v5, v4  }
.LBB2_1:
0x17: {  	[tilespmem:s11], [sflag:$0x2] =	stream.linear.gather [hbm4b:s0+s2], $0x80, $0x38;
	[tilespmem:$0x10B00] =	vst v63  }
0x18: {  	_ =	swait.ge [sflag:s12], $0x80  }
0x19: {  	[sflag:s12] =	ssyncset.done $0x0  }
0x1a: {  	[sflag:s12] =	ssyncadd.s32 $0xFFFFFF80  }
0x1b: {  	[tilespmem:s13], [sflag:$0x2] =	stream.linear.gather [hbm4b:s6+s2], $0x80, $0x38;
	[tilespmem:$0x10B00] =	vst v63  }
0x1c: {  	_ =	swait.ge [sflag:s12], $0x80  }
0x1d: {  	[sflag:s12] =	ssyncset.done $0x0  }
0x1e: {  	[sflag:s12] =	ssyncadd.s32 $0xFFFFFF80  }
0x1f: {  	[tilespmem:s2], [sflag:$0x2] =	stream.linear.gather [hbm4b:s7+s2], $0x200, $0x38;
	[tilespmem:$0x10B00] =	vst v63  }
0x20: {  	_ =	swait.ge [sflag:s12], $0x200  }
0x21: {  	[sflag:s12] =	ssyncset.done $0x0  }
0x22: {  	[sflag:s12] =	ssyncadd.s32 $0xFFFFFE00  }
0x23: {  	[tilespmem:s14], [sflag:$0x2] =	stream.linear.gather [hbm4b:s8+s2], $0x200, $0x38;
	[tilespmem:$0x10B00] =	vst v63  }
0x24: {  	_ =	swait.ge [sflag:s12], $0x200  }
0x25: {  	[sflag:s12] =	ssyncset.done $0x0  }
0x26: {  	s21 =	simm.s32 $0x0;
	[sflag:s12] =	ssyncadd.s32 $0xFFFFFE00  }
0x27: {  	v5 =	vld [tilespmem:s21+$0x200]  }
0x28: {  	v6 =	vld [tilespmem:s21+$0x0];
	_ =	sdelay $0x1  }
0x29: {  	s22 =	simm.s32 $0x40  }
.LBB2_2:
0x2a: {  	p0 =	sne.s32 s22, $0x7C0  }
.Ltmp0:
0x2b: {  	s23 =	sshra.s32 s22, $0x2;
	s22 =	sadd.s32 $0x40, s22;
	v7 =	vshra.s32 v5, $0x2;
	(pc) =	sbr.rel @p0 .LBB2_2-.Ltmp0, $4  }
0x2c: {  	v9 =	vand.u32 $0x3FFF, v5;
	v8 =	vshra.s32 v6, $0x2;
	v7 =	vand.u32 $0xFFFFC000, v7;
	v5 =	vld [tilespmem:s23+$0x200]  }
0x2d: {  	v10 =	vand.u32 $0x3FFF, v6;
	v8 =	vand.u32 $0xFFFFC000, v8;
	v6 =	vld [tilespmem:s23+$0x0];
	v7 =	vor.u32 v9, v7  }
0x2e: {  	v8 =	vor.u32 v10, v8;
	[tilespmem:s21+$0x600] =	vst v7  }
0x2f: {  	[tilespmem:s21+$0x400] =	vst v8;
	s21 =	smov.u32 s23  }
0x30: {  	_ = 	snop  }
0x31: {  	v7 =	vshra.s32 v5, $0x2  }
0x32: {  	v5 =	vand.u32 $0x3FFF, v5;
	v8 =	vshra.s32 v6, $0x2;
	v7 =	vand.u32 $0xFFFFC000, v7  }
0x33: {  	v6 =	vand.u32 $0x3FFF, v6;
	v8 =	vand.u32 $0xFFFFC000, v8;
	v5 =	vor.u32 v5, v7  }
0x34: {  	v6 =	vor.u32 v6, v8;
	[tilespmem:s21+$0x600] =	vst v5  }
0x35: {  	[tilespmem:s21+$0x400] =	vst v6  }
0x36: {  	v5 =	vld [tilespmem:$0x10A00]  }
0x37: {  	v6 =	vld [tilespmem:$0x10A10]  }
0x38: {  	p1 =	por $0x1, $0x1;
	s21 =	simm.s32 $0x0;
	v7 =	vld [tilespmem:$0x10A80]  }
.LBB2_4:
0x39: {  	s22 =	sadd.s32 $0x400, s21  }
0x3a: {  	[tilespmem:s16], [sflag:$0x1] =	stream.indirect.gather [hbm4b:s3+s15], $0x80, s22, s15, $0xb8;
	[tilespmem:$0x10B00] =	vst v63  }
0x3b: {  	s30 =	sadd.s32 $0x600, s21  }
0x3c: {  	[tilespmem:s17], [sflag:$0x1] =	stream.indirect.gather [hbm4b:s5+s15], $0x80, s30, s15, $0xb8;
	[tilespmem:$0x10B00] =	vst v63  }
0x3d: {  	_ =	swait.ge [sflag:s18], $0x8000  }
0x3e: {  	[sflag:s18] =	ssyncset.done $0x0  }
0x3f: {  	[sflag:s18] =	ssyncadd.s32 $0xFFFF8000  }
0x40: {  	s31 =	sshll.u32 s21, $0x2;
	p0 =	por p1, p1;
	_ =	swait.ge [sflag:s18], $0x8000  }
0x41: {  	s24 =	simm.s32 $0x0;
	s21 =	sshra.s32 s31, $0x2;
	[sflag:s18] =	ssyncset.done $0x0  }
0x42: {  	s22 =	sadd.s32 $0x200, s21;
	s23 =	sadd.s32 $0x10800, s21;
	[sflag:s18] =	ssyncadd.s32 $0xFFFF8000  }
.LBB2_5:
0x43: {  	v8 =	vld [tilespmem:s21+$0x0];
	_ =	sdelay $0x3  }
0x44: {  	v9 =	vld [tilespmem:s22+$0x0]  }
0x45: {  	v8 =	vshrl.u32 v8, $0x9  }
0x46: {  	s25 =	sshra.s32 s24, $0x2;
	v8 =	vand.u32 $0x60, v8  }
0x47: {  	v8 =	vadd.s32 s25, v8  }
0x48: {  	(v2sf) =	vpush v8, $0x1  }
0x49: {  	v9 =	vshrl.u32 v9, $0x9  }
0x4a: {  	v9 =	vand.u32 $0x60, v9;
	(v2sf) =	vpush v8, $0x0  }
0x4b: {  	v9 =	vadd.s32 s25, v9  }
0x4c: {  	(v2sf) =	vpush v9, $0x1;
	_ =	sdelay $0x1  }
0x4d: {  	(v2sf) =	vpush v9, $0x0;
	_ =	sdelay $0x1  }
0x4e: {  	(v2sf) =	vpush v8, $0x3;
	_ =	sdelay $0x1  }
0x4f: {  	(v2sf) =	vpush v8, $0x2;
	_ =	sdelay $0x1  }
0x50: {  	(v2sf) =	vpush v9, $0x3;
	_ =	sdelay $0x1  }
0x51: {  	(v2sf) =	vpush v9, $0x2  }
0x52: {  	s30 =	spop (v2sf)  }
0x53: {  	(v2sf) =	vpush v8, $0x5;
	v14 =	vld [tilespmem:s30+$0x880]  }
0x54: {  	s26 =	spop (v2sf);
	v15 =	vld [tilespmem:s30+$0x890]  }
0x55: {  	(v2sf) =	vpush v8, $0x4;
	v10 =	vld [tilespmem:s26+$0x800]  }
0x56: {  	s28 =	spop (v2sf);
	v11 =	vld [tilespmem:s26+$0x810]  }
0x57: {  	(v2sf) =	vpush v9, $0x5;
	v16 =	vld [tilespmem:s28+$0x8880]  }
0x58: {  	s31 =	spop (v2sf);
	v17 =	vld [tilespmem:s28+$0x8890]  }
0x59: {  	(v2sf) =	vpush v9, $0x4;
	v12 =	vld [tilespmem:s31+$0x8800]  }
0x5a: {  	v13 =	vld [tilespmem:s31+$0x8810];
	s25 =	spop (v2sf)  }
0x5b: {  	(v2sf) =	vpush v8, $0x7;
	v22 =	vld [tilespmem:s25+$0x980]  }
0x5c: {  	s29 =	spop (v2sf);
	v23 =	vld [tilespmem:s25+$0x990]  }
0x5d: {  	(v2sf) =	vpush v8, $0x6;
	v18 =	vld [tilespmem:s29+$0x900]  }
0x5e: {  	s30 =	spop (v2sf);
	v19 =	vld [tilespmem:s29+$0x910]  }
0x5f: {  	(v2sf) =	vpush v9, $0x7;
	v24 =	vld [tilespmem:s30+$0x8980]  }
0x60: {  	s31 =	spop (v2sf);
	v25 =	vld [tilespmem:s30+$0x8990]  }
0x61: {  	(v2sf) =	vpush v9, $0x6;
	v20 =	vld [tilespmem:s31+$0x8900]  }
0x62: {  	v21 =	vld [tilespmem:s31+$0x8910];
	s25 =	spop (v2sf)  }
0x63: {  	(v2sf) =	vpush v8, $0x9;
	v30 =	vld [tilespmem:s25+$0xA80]  }
0x64: {  	s29 =	spop (v2sf);
	v31 =	vld [tilespmem:s25+$0xA90]  }
0x65: {  	(v2sf) =	vpush v8, $0x8;
	v26 =	vld [tilespmem:s29+$0xA00]  }
0x66: {  	s30 =	spop (v2sf);
	v27 =	vld [tilespmem:s29+$0xA10]  }
0x67: {  	(v2sf) =	vpush v9, $0x9;
	v32 =	vld [tilespmem:s30+$0x8A80]  }
0x68: {  	s31 =	spop (v2sf);
	v33 =	vld [tilespmem:s30+$0x8A90]  }
0x69: {  	(v2sf) =	vpush v9, $0x8;
	v28 =	vld [tilespmem:s31+$0x8A00]  }
0x6a: {  	v29 =	vld [tilespmem:s31+$0x8A10];
	s25 =	spop (v2sf)  }
0x6b: {  	(v2sf) =	vpush v8, $0xB;
	v38 =	vld [tilespmem:s25+$0xB80]  }
0x6c: {  	s29 =	spop (v2sf);
	v39 =	vld [tilespmem:s25+$0xB90]  }
0x6d: {  	(v2sf) =	vpush v8, $0xA;
	v34 =	vld [tilespmem:s29+$0xB00]  }
0x6e: {  	s30 =	spop (v2sf);
	v35 =	vld [tilespmem:s29+$0xB10]  }
0x6f: {  	(v2sf) =	vpush v9, $0xB;
	v40 =	vld [tilespmem:s30+$0x8B80]  }
0x70: {  	s31 =	spop (v2sf);
	v41 =	vld [tilespmem:s30+$0x8B90]  }
0x71: {  	(v2sf) =	vpush v9, $0xA;
	v36 =	vld [tilespmem:s31+$0x8B00]  }
0x72: {  	v37 =	vld [tilespmem:s31+$0x8B10];
	s25 =	spop (v2sf)  }
0x73: {  	(v2sf) =	vpush v8, $0xD;
	v46 =	vld [tilespmem:s25+$0xC80]  }
0x74: {  	s29 =	spop (v2sf);
	v47 =	vld [tilespmem:s25+$0xC90]  }
0x75: {  	(v2sf) =	vpush v8, $0xC;
	v42 =	vld [tilespmem:s29+$0xC00]  }
0x76: {  	s30 =	spop (v2sf);
	v43 =	vld [tilespmem:s29+$0xC10]  }
0x77: {  	(v2sf) =	vpush v9, $0xD;
	v48 =	vld [tilespmem:s30+$0x8C80]  }
0x78: {  	s31 =	spop (v2sf);
	v49 =	vld [tilespmem:s30+$0x8C90]  }
0x79: {  	v10 =	vmul.f32 v12, v10;
	(v2sf) =	vpush v9, $0xC;
	v44 =	vld [tilespmem:s31+$0x8C00]  }
0x7a: {  	v11 =	vmul.f32 v13, v11;
	v13 =	vmul.f32 v16, v14;
	v45 =	vld [tilespmem:s31+$0x8C10];
	s25 =	spop (v2sf)  }
0x7b: {  	v14 =	vmul.f32 v17, v15;
	v10 =	vmul.f32 v10, v5;
	(v2sf) =	vpush v8, $0xF;
	v52 =	vld [tilespmem:s25+$0xD80]  }
0x7c: {  	v11 =	vmul.f32 v11, v6;
	v13 =	vmul.f32 v13, v5;
	s29 =	spop (v2sf);
	v53 =	vld [tilespmem:s25+$0xD90]  }
0x7d: {  	v14 =	vmul.f32 v14, v6;
	v16 =	vmul.f32 v20, v18;
	(v2sf) =	vpush v8, $0xE;
	v50 =	vld [tilespmem:s29+$0xD00]  }
0x7e: {  	v17 =	vmul.f32 v21, v19;
	v19 =	vmul.f32 v24, v22;
	s30 =	spop (v2sf);
	v8 =	vld [tilespmem:s29+$0xD10];
	(v2sf) =	vpush v9, $0xF  }
0x7f: {  	v20 =	vmul.f32 v25, v23;
	v16 =	vmul.f32 v16, v5;
	v54 =	vld [tilespmem:s30+$0x8D80]  }
0x80: {  	v17 =	vmul.f32 v17, v6;
	v25 =	vmul.f32 v32, v30;
	s31 =	spop (v2sf);
	v55 =	vld [tilespmem:s30+$0x8D90]  }
0x81: {  	v22 =	vmul.f32 v28, v26;
	v23 =	vmul.f32 v29, v27;
	(v2sf) =	vpush v9, $0xE;
	v51 =	vld [tilespmem:s31+$0x8D00]  }
0x82: {  	v26 =	vmul.f32 v33, v31;
	v31 =	vmul.f32 v40, v38;
	v9 =	vld [tilespmem:s31+$0x8D10];
	s25 =	spop (v2sf)  }
0x83: {  	v32 =	vmul.f32 v41, v39;
	v28 =	vmul.f32 v36, v34;
	v60 =	vld [tilespmem:s25+$0xE80]  }
0x84: {  	v29 =	vmul.f32 v37, v35;
	v30 =	vmul.f32 v31, v5;
	s29 =	spop (v2sf);
	v12 =	vld [tilespmem:s25+$0xE90]  }
0x85: {  	v31 =	vmul.f32 v32, v6;
	v28 =	vmul.f32 v28, v5;
	v56 =	vld [tilespmem:s29+$0xE00]  }
0x86: {  	v29 =	vmul.f32 v29, v6;
	v34 =	vmul.f32 v44, v42;
	s30 =	spop (v2sf);
	v57 =	vld [tilespmem:s29+$0xE10]  }
0x87: {  	v37 =	vmul.f32 v48, v46;
	v35 =	vmul.f32 v45, v43;
	v15 =	vld [tilespmem:s30+$0x8E80]  }
0x88: {  	v38 =	vmul.f32 v49, v47;
	v32 =	vmul.f32 v34, v5;
	s31 =	spop (v2sf);
	v18 =	vld [tilespmem:s30+$0x8E90]  }
0x89: {  	v33 =	vmul.f32 v35, v6;
	v34 =	vmul.f32 v37, v5;
	v58 =	vld [tilespmem:s31+$0x8E00]  }
0x8a: {  	v10 =	vadd.f32 v11, v10;
	v35 =	vmul.f32 v38, v6;
	v49 =	vmul.f32 v51, v50;
	v59 =	vld [tilespmem:s31+$0x8E10];
	s25 =	spop (v2sf)  }
0x8b: {  	v13 =	vadd.f32 v14, v13;
	v8 =	vmul.f32 v9, v8;
	v51 =	vmul.f32 v54, v52;
	v62 =	vld [tilespmem:s25+$0xF80]  }
0x8c: {  	v16 =	vadd.f32 v17, v16;
	v52 =	vmul.f32 v55, v53;
	v36 =	vmul.f32 v49, v5;
	s29 =	spop (v2sf);
	v63 =	vld [tilespmem:s25+$0xF90]  }
0x8d: {  	v44 =	vsel vm3, v13, v10;
	v8 =	vmul.f32 v8, v6;
	v37 =	vmul.f32 v51, v5;
	s30 =	spop (v2sf);
	v21 =	vld [tilespmem:s29+$0xF00]  }
0x8e: {  	v10 =	vsel vm3, v10, v13;
	v38 =	vmul.f32 v52, v6;
	v48 =	vld [tilespmem:s30+$0x8F80];
	v15 =	vmul.f32 v15, v60  }
0x8f: {  	v8 =	vadd.f32 v8, v36;
	v50 =	vld [tilespmem:s30+$0x8F90];
	v12 =	vmul.f32 v18, v12;
	v60 =	vmul.f32 v22, v5  }
0x90: {  	v41 =	vadd.f32 v38, v37;
	v24 =	vld [tilespmem:s29+$0xF10];
	s31 =	spop (v2sf);
	v53 =	vmul.f32 v58, v56;
	v54 =	vmul.f32 v59, v57  }
0x91: {  	v27 =	vld [tilespmem:s31+$0x8F00];
	v22 =	vadd.f32 v33, v32;
	v58 =	vmul.f32 v19, v5;
	v59 =	vmul.f32 v20, v6  }
0x92: {  	v61 =	vld [tilespmem:s31+$0x8F10];
	v19 =	vadd.f32 v29, v28;
	v15 =	vmul.f32 v15, v5;
	v12 =	vmul.f32 v12, v6  }
0x93: {  	v20 =	vadd.f32 v31, v30;
	v39 =	vmul.f32 v53, v5;
	v40 =	vmul.f32 v54, v6  }
0x94: {  	v11 =	vadd.f32 v59, v58;
	v57 =	vmul.f32 v48, v62;
	v9 =	vmul.f32 v50, v63  }
0x95: {  	v51 =	vsel vm3, v19, v20;
	v62 =	vmul.f32 v25, v5;
	v63 =	vmul.f32 v26, v6  }
0x96: {  	v12 =	vadd.f32 v12, v15;
	v48 =	vsel vm3, v20, v19;
	v50 =	vsel vm3, v41, v8  }
0x97: {  	v8 =	vsel vm3, v8, v41;
	v55 =	vmul.f32 v27, v21;
	v56 =	vmul.f32 v61, v24  }
0x98: {  	v61 =	vmul.f32 v23, v6;
	v23 =	vadd.f32 v35, v34;
	v42 =	vadd.f32 v40, v39  }
0x99: {  	v45 =	vsel vm3, v11, v16;
	v11 =	vsel vm3, v16, v11;
	v17 =	vadd.f32 v63, v62  }
0x9a: {  	v24 =	vmul.f32 v57, v5;
	v9 =	vmul.f32 v9, v6;
	v14 =	vadd.f32 v61, v60  }
0x9b: {  	v18 =	vmul.f32 v55, v5;
	v21 =	vmul.f32 v56, v6;
	v49 =	vsel vm3, v23, v22  }
0x9c: {  	v52 =	vsel vm3, v22, v23;
	v53 =	vsel vm3, v12, v42;
	v12 =	vsel vm3, v42, v12  }
0x9d: {  	v9 =	vadd.f32 v9, v24;
	v16 =	vperm.xlane v49, v0;
	v43 =	vadd.f32 v21, v18  }
0x9e: {  	v18 =	vperm.xlane v44, v0;
	v21 =	vperm.xlane v45, v0;
	v46 =	vsel vm3, v17, v14  }
0x9f: {  	v14 =	vsel vm3, v14, v17;
	v17 =	vperm.xlane v50, v0;
	v16 =	vadd.f32 v16, v52  }
0xa0: {  	v47 =	vperm.xlane v46, v0;
	v10 =	vadd.f32 v18, v10;
	v11 =	vadd.f32 v21, v11  }
0xa1: {  	v8 =	vadd.f32 v17, v8;
	v54 =	vsel vm3, v9, v43;
	v17 =	vperm.xlane v53, v0  }
0xa2: {  	v13 =	vadd.f32 v47, v14;
	v14 =	vperm.xlane v48, v0;
	v18 =	vperm.xlane v54, v0  }
0xa3: {  	v9 =	vsel vm3, v43, v9;
	v55 =	vsel vm0, v11, v10;
	v12 =	vadd.f32 v17, v12  }
0xa4: {  	v10 =	vsel vm0, v10, v11;
	v14 =	vadd.f32 v14, v51;
	v9 =	vadd.f32 v18, v9  }
0xa5: {  	v58 =	vsel vm0, v8, v16;
	v8 =	vsel vm0, v16, v8;
	v56 =	vperm.xlane v55, v2  }
0xa6: {  	v59 =	vperm.xlane v58, v2;
	v57 =	vsel vm0, v14, v13;
	v17 =	vsel vm0, v9, v12  }
0xa7: {  	v10 =	vadd.f32 v56, v10;
	v11 =	vperm.xlane v57, v2;
	v60 =	vperm.xlane v17, v2  }
0xa8: {  	v13 =	vsel vm0, v13, v14;
	v9 =	vsel vm0, v12, v9;
	v8 =	vadd.f32 v59, v8  }
0xa9: {  	v11 =	vadd.f32 v11, v13;
	v9 =	vadd.f32 v60, v9;
	_ =	sdelay $0x1  }
0xaa: {  	v61 =	vsel vm1, v11, v10;
	v62 =	vsel vm1, v9, v8  }
0xab: {  	v12 =	vperm.xlane v61, v3;
	v13 =	vperm.xlane v62, v3  }
0xac: {  	v10 =	vsel vm1, v10, v11;
	v8 =	vsel vm1, v8, v9  }
0xad: {  	v63 =	vadd.f32 v12, v10;
	v8 =	vadd.f32 v13, v8;
	_ =	sdelay $0x1  }
0xae: {  	v10 =	vsel vm2, v8, v63  }
0xaf: {  	v10 =	vperm.xlane v10, v1  }
0xb0: {  	v8 =	vsel vm2, v63, v8  }
0xb1: {  	v8 =	vadd.f32 v8, v10;
	_ =	sdelay $0x1  }
0xb2: {  	v8 =	vperm.xlane v8, v4;
	_ =	sdelay $0x1  }
0xb3: {  	v8 =	vadd.f32 v8, v7;
	_ =	sdelay $0x1  }
0xb4: {  	v8 =	vsub.f32 $0.0e+00, v8;
	_ =	sdelay $0x1  }
0xb5: {  	v8 =	vmul.f32 $1.442695020e+00, v8;
	_ =	sdelay $0x1  }
0xb6: {  	(erf) = vpow2.f32 v8;
	_ =	sdelay $0x8  }
0xb7: {  	v8 =	vpop (erf)  }
0xb8: {  	v8 =	vadd.f32 $1.000000000e+00, v8;
	_ =	sdelay $0x1  }
0xb9: {  	(erf) = vrcp.f32 v8;
	_ =	sdelay $0x4  }
0xba: {  	p1 =	sne.s32 s24, $0x1E000  }
.Ltmp1:
0xbb: {  	_ = 	snop;
	(pc) =	sbr.rel @p1 .LBB2_5-.Ltmp1, $3  }
0xbc: {  	_ =	sdelay $0x1  }
0xbd: {  	s21 =	sadd.s32 $0x10, s21;
	v8 =	vpop (erf)  }
0xbe: {  	s22 =	sadd.s32 $0x10, s22;
	s24 =	sadd.s32 $0x2000, s24;
	[tilespmem:s23+$0x0] =	vst v8;
	s23 =	sadd.s32 $0x10, s23  }
.Ltmp2:
0xbf: {  	(pc) =	sbr.rel @p0 .LBB2_4-.Ltmp2, $2  }
0xc0: {  	_ =	sdelay $0x2  }
0xc1: {  	s21 =	simm.s32 $0x100;
	p1 =	por $0x0, $0x0  }
0xc2: {  	s20 =	sadd.s32 $0x1, s20  }
0xc3: {  	p0 =	sne.s32 s20, s10  }
.Ltmp3:
0xc4: {  	_ = 	snop;
	(pc) =	sbr.rel @p0 .LBB2_1-.Ltmp3, $4  }
0xc5: {  	[hbm4b:s9+s2] =	stream.linear.scatter [tilespmem:s19], [sflag:$0x2], $0x200, $0x38;
	[tilespmem:$0x10B00] =	vst v63  }
0xc6: {  	_ =	swait.ge [sflag:s12], $0x200  }
0xc7: {  	[sflag:s12] =	ssyncset.done $0x0  }
0xc8: {  	[sflag:s12] =	ssyncadd.s32 $0xFFFFFE00  }
0xc9: {  	_ =	sfence.sel $0x180000  }
0xca: {  	[bflag:$0x0] =	sbarrier.arrive $0xFFFF  }
0xcb: {  	p0 =	sne.s32 s4, $0x0;
	_ =	strace $0x90000047  }
0xcc: {  	s0 =	sadd.s32 @!p0 $0x100000, s1;
	[bflag:$0x2] =	sbarrier.arrive $0xFFFF  }
0xcd: {  	[sflag:s0] =	ssyncadd.tile.s32 @!p0 $0x1;
	_ =	shalt  }
.Lfunc_end2:
_tile_overlayer_lowered:
.L_overlay_start_2:
0xce: {  	(tag) =	ssettag $0x2  }
0xcf: {  	s0 =	rddreg [dreg:$0x0];
	s2 =	stileid.u32  }
0xd0: {  	s1 =	rddreg [dreg:$0x1];
	p0 =	sne.s32 s2, $0x0  }
0xd1: {  	s3 =	rddreg [dreg:$0x2];
	[bflag:$0x3] =	sbarrier.arrive $0xFFFF;
	s2 =	simm.s32 @!p0 $0x1C02  }
0xd2: {  	[timem:s3], [sflag:s2] =	dma.local @!p0 [hbm:s0], s1  }
0xd3: {  	s0 =	simm.s32 @!p0 $0x2  }
0xd4: {  	_ =	swait.ge @!p0 [sflag:s0], s1  }
0xd5: {  	s1 =	ssub.s32 @!p0 $0x0, s1;
	[sflag:s0] =	ssyncset.done @!p0 $0x0  }
0xd6: {  	[sflag:s0] =	ssyncadd.s32 @!p0 s1  }
0xd7: {  	[bflag:$0x3] =	sbarrier.arrive $0xFFFF  }
0xd8: {  	_ =	shalt  }

</sc_bundles>
